<compile_context>
chip_gen: v7x
topology: tpu7x:2x2x1
jax: 0.10.2.dev20260603
libtpu: 0.0.44.dev20260713+nightly
codegen_flags: <defaults>
</compile_context>

<pallas_src>
import functools

import jax
import jax.numpy as jnp
from jax import lax
from jax.experimental import pallas as pl
from jax.experimental.pallas import tpu as pltpu
from jax.experimental.pallas import tpu_sc as plsc

VOCAB = 1048576
EMBED_DIM = 128
BATCH = 4096
SEQ = 200

NC = 2
NS = 16
NW = NC * NS

B = BATCH * SEQ
B_PER_W = B // NW
CHUNK = 128
N_CHUNK = B_PER_W // CHUNK
R = 5
NGROUP = N_CHUNK // R


def _gather_body(idx_hbm, table_hbm, out_hbm, idx_v, rows_v,
                 gsem0, gsem1, gsem2, gsem3, gsem4,
                 osem0, osem1, osem2, osem3, osem4):
    gsems = [gsem0, gsem1, gsem2, gsem3, gsem4]
    osems = [osem0, osem1, osem2, osem3, osem4]

    cid = lax.axis_index("c")
    sid = lax.axis_index("s")
    wid = sid * NC + cid
    base = wid * B_PER_W

    pltpu.sync_copy(idx_hbm.at[wid], idx_v)

    def gather_desc(h, p):
        return pltpu.make_async_copy(
            table_hbm.at[idx_v.at[h]], rows_v.at[p], gsems[p])

    def out_desc(h, p):
        return pltpu.make_async_copy(
            rows_v.at[p], out_hbm.at[pl.ds(base + h * CHUNK, CHUNK)], osems[p])

    def pos(h, p, first=False, skip_gather=False):
        gather_desc(h, p).wait()
        out_desc(h, p).start()
        if not first:
            out_desc(h - 1, (p - 1) % R).wait()
        if not skip_gather:
            gather_desc(h + R - 1, (p - 1) % R).start()

    for p in range(R - 1):
        gather_desc(p, p).start()

    for p in range(R):
        pos(p, p, first=(p == 0))

    def body(g, carry):
        for p in range(R):
            pos(g * R + p, p)
        return carry

    lax.fori_loop(1, NGROUP - 1, body, 0)

    for p in range(R):
        h = (NGROUP - 1) * R + p
        pos(h, p, skip_gather=(h + R - 1 >= N_CHUNK))

    out_desc(N_CHUNK - 1, (N_CHUNK - 1) % R).wait()


@jax.jit
def _gather(idx3, table):
    kfn = functools.partial(
        pl.kernel,
        out_type=jax.ShapeDtypeStruct((B, EMBED_DIM), jnp.float32),
        mesh=plsc.VectorSubcoreMesh(core_axis_name="c", subcore_axis_name="s"),
        scratch_types=[
            pltpu.VMEM((N_CHUNK, CHUNK), jnp.int32),
            pltpu.VMEM((R, CHUNK, EMBED_DIM), jnp.float32),
        ] + [pltpu.SemaphoreType.DMA] * (2 * R),
    )(_gather_body)
    return kfn(idx3, table)


def kernel(indices, table):
    idx3 = indices.reshape(NW, N_CHUNK, CHUNK).astype(jnp.int32)
    out = _gather(idx3, table)
    return out.reshape(BATCH, SEQ, EMBED_DIM)

# --- scband reference (transcript-rebuilt; emitter-appended) ---
"""Pipeline reference for scband-text-binary-base-26293789786731 (READ-ONLY COPY).

The authoritative reference and input builder live on the scoring server;
editing this copy changes nothing except your own understanding.
"""

import jax, jax.numpy as jnp
import numpy as np

VOCAB = 1048576
EMBED_DIM = 128
BATCH = 4096
SEQ = 200

def setup_inputs(seed: int = 0) -> dict:
    key = jax.random.key(seed)
    k1, k2 = jax.random.split(key)
    # Token ids produced by TextVectorization (int, 0 = padding/mask token)
    indices = jax.random.randint(k1, (BATCH, SEQ), 0, VOCAB, dtype=jnp.int64 if jax.config.jax_enable_x64 else jnp.int32)
    # Embedding table (keras layers.Embedding default: random_uniform init)
    table = jax.random.uniform(k2, (VOCAB, EMBED_DIM), dtype=jnp.float32, minval=-0.05, maxval=0.05)
    return {"indices": indices, "table": table}

def reference(indices, table):
    # TextBinaryBase.call: vectorization (pre-applied -> indices) then Embedding lookup.
    # mask_zero=True only attaches a keras mask; returned values are just table[ids].
    x = jnp.take(table, indices, axis=0)
    return x

if __name__ == "__main__":
    import jax
    _d = setup_inputs()
    print(jax.jit(kernel)(*tuple(_d.values())))

</pallas_src>

<mosaic_0001>
#map = affine_map<(d0, d1) -> (0, 0, 0)>
#map1 = affine_map<(d0, d1) -> (0, 0)>
module attributes {stable_mosaic.version = 14 : i64} {
  func.func @_gather_body(%arg0: i32, %arg1: i32, %arg2: memref<32x200x128xi32, #tpu.memory_space<hbm>>, %arg3: memref<1048576x128xf32, #tpu.memory_space<hbm>>, %arg4: memref<819200x128xf32, #tpu.memory_space<hbm>>, %arg5: memref<200x128xi32, #tpu.memory_space<vmem>>, %arg6: memref<5x128x128xf32, #tpu.memory_space<vmem>>, %arg7: memref<!tpu.dma_semaphore, #tpu.memory_space<semaphore_mem>>, %arg8: memref<!tpu.dma_semaphore, #tpu.memory_space<semaphore_mem>>, %arg9: memref<!tpu.dma_semaphore, #tpu.memory_space<semaphore_mem>>, %arg10: memref<!tpu.dma_semaphore, #tpu.memory_space<semaphore_mem>>, %arg11: memref<!tpu.dma_semaphore, #tpu.memory_space<semaphore_mem>>, %arg12: memref<!tpu.dma_semaphore, #tpu.memory_space<semaphore_mem>>, %arg13: memref<!tpu.dma_semaphore, #tpu.memory_space<semaphore_mem>>, %arg14: memref<!tpu.dma_semaphore, #tpu.memory_space<semaphore_mem>>, %arg15: memref<!tpu.dma_semaphore, #tpu.memory_space<semaphore_mem>>, %arg16: memref<!tpu.dma_semaphore, #tpu.memory_space<semaphore_mem>>) attributes {dimension_semantics = [#tpu.dimension_semantics<core_parallel>, #tpu.dimension_semantics<subcore_parallel>], iteration_bounds = array<i64: 2, 16>, scalar_prefetch = 0 : i64, scratch_operands = 12 : i64, tpu.core_type = #tpu.core_type<sc_vector_subcore>, window_params = [{transform_indices = #map}, {transform_indices = #map1}, {transform_indices = #map1}]} {
    %mul3A = arith.constant 2 : i32
    %mul3A_0 = arith.muli %arg1, %mul3A : i32
    %add3A = arith.addi %mul3A_0, %arg0 : i32
    %mul3A_1 = arith.constant 25600 : i32
    %mul3A_2 = arith.muli %add3A, %mul3A_1 : i32
    "tpu.region"() ({
      %run_scoped3A = tpu.sem_alloc : memref<!tpu.dma_semaphore, #tpu.memory_space<semaphore_mem>>
      %dma_start3A_546 = arith.constant 0 : i32
      %dma_start3A_547 = arith.constant 0 : i32
      %dma_start3A_548 = tpu.memref_slice %arg2[%add3A, %dma_start3A_546, %dma_start3A_547] : memref<32x200x128xi32, #tpu.memory_space<hbm>> -> memref<1x200x128xi32, #tpu.memory_space<hbm>>
      %dma_start3A_549 = tpu.memref_squeeze %dma_start3A_548 : memref<1x200x128xi32, #tpu.memory_space<hbm>> -> memref<200x128xi32, #tpu.memory_space<hbm>>
      %dma_start3A_550 = arith.constant 0 : i32
      %dma_start3A_551 = arith.constant 0 : i32
      %dma_start3A_552 = tpu.memref_slice %arg2[%add3A, %dma_start3A_550, %dma_start3A_551] : memref<32x200x128xi32, #tpu.memory_space<hbm>> -> memref<1x200x128xi32, #tpu.memory_space<hbm>>
      %dma_start3A_553 = tpu.memref_squeeze %dma_start3A_552 : memref<1x200x128xi32, #tpu.memory_space<hbm>> -> memref<200x128xi32, #tpu.memory_space<hbm>>
      tpu.enqueue_dma source(%dma_start3A_553 : memref<200x128xi32, #tpu.memory_space<hbm>>) target(%arg5 : memref<200x128xi32, #tpu.memory_space<vmem>>) target_semaphore(%run_scoped3A : memref<!tpu.dma_semaphore, #tpu.memory_space<semaphore_mem>>)
      %dma_wait3A_554 = arith.constant 0 : i32
      %dma_wait3A_555 = arith.constant 0 : i32
      %dma_wait3A_556 = tpu.memref_slice %arg2[%add3A, %dma_wait3A_554, %dma_wait3A_555] : memref<32x200x128xi32, #tpu.memory_space<hbm>> -> memref<1x200x128xi32, #tpu.memory_space<hbm>>
      %dma_wait3A_557 = tpu.memref_squeeze %dma_wait3A_556 : memref<1x200x128xi32, #tpu.memory_space<hbm>> -> memref<200x128xi32, #tpu.memory_space<hbm>>
      %dma_wait3A_558 = arith.constant 0 : i32
      %dma_wait3A_559 = arith.constant 0 : i32
      %dma_wait3A_560 = tpu.memref_slice %arg2[%add3A, %dma_wait3A_558, %dma_wait3A_559] : memref<32x200x128xi32, #tpu.memory_space<hbm>> -> memref<1x200x128xi32, #tpu.memory_space<hbm>>
      %dma_wait3A_561 = tpu.memref_squeeze %dma_wait3A_560 : memref<1x200x128xi32, #tpu.memory_space<hbm>> -> memref<200x128xi32, #tpu.memory_space<hbm>>
      tpu.wait_dma2 semaphore(%run_scoped3A : memref<!tpu.dma_semaphore, #tpu.memory_space<semaphore_mem>>) src(%dma_wait3A_561 : memref<200x128xi32, #tpu.memory_space<hbm>>) dst(%arg5 : memref<200x128xi32, #tpu.memory_space<vmem>>)
      tpu.yield
    }) : () -> ()
    %dma_start3A = arith.constant 0 : i32
    %dma_start3A_3 = arith.constant 0 : i32
    %dma_start3A_4 = arith.constant 0 : i32
    %dma_start3A_5 = arith.constant 0 : i32
    %dma_start3A_6 = tpu.memref_slice %arg6[%dma_start3A_3, %dma_start3A_4, %dma_start3A_5] : memref<5x128x128xf32, #tpu.memory_space<vmem>> -> memref<1x128x128xf32, #tpu.memory_space<vmem>>
    %dma_start3A_7 = tpu.memref_squeeze %dma_start3A_6 : memref<1x128x128xf32, #tpu.memory_space<vmem>> -> memref<128x128xf32, #tpu.memory_space<vmem>>
    %dma_start3A_8 = arith.constant 0 : i32
    %dma_start3A_9 = tpu.memref_slice %arg5[%dma_start3A, %dma_start3A_8] : memref<200x128xi32, #tpu.memory_space<vmem>> -> memref<1x128xi32, #tpu.memory_space<vmem>>
    %dma_start3A_10 = tpu.memref_squeeze %dma_start3A_9 : memref<1x128xi32, #tpu.memory_space<vmem>> -> memref<128xi32, #tpu.memory_space<vmem>>
    %dma_start3A_11 = arith.constant 0 : i32
    %dma_start3A_12 = arith.constant 0 : i32
    %dma_start3A_13 = tpu.memref_slice %arg3[%dma_start3A_11, %dma_start3A_12] : memref<1048576x128xf32, #tpu.memory_space<hbm>> -> memref<1048576x128xf32, #tpu.memory_space<hbm>>
    tpu.enqueue_indirect_dma source(%dma_start3A_13 : memref<1048576x128xf32, #tpu.memory_space<hbm>>) target(%dma_start3A_7 : memref<128x128xf32, #tpu.memory_space<vmem>>) offsets(%dma_start3A_10 : memref<128xi32, #tpu.memory_space<vmem>>) semaphore(%arg7 : memref<!tpu.dma_semaphore, #tpu.memory_space<semaphore_mem>>)
    %dma_start3A_14 = arith.constant 1 : i32
    %dma_start3A_15 = arith.constant 1 : i32
    %dma_start3A_16 = arith.constant 0 : i32
    %dma_start3A_17 = arith.constant 0 : i32
    %dma_start3A_18 = tpu.memref_slice %arg6[%dma_start3A_15, %dma_start3A_16, %dma_start3A_17] : memref<5x128x128xf32, #tpu.memory_space<vmem>> -> memref<1x128x128xf32, #tpu.memory_space<vmem>>
    %dma_start3A_19 = tpu.memref_squeeze %dma_start3A_18 : memref<1x128x128xf32, #tpu.memory_space<vmem>> -> memref<128x128xf32, #tpu.memory_space<vmem>>
    %dma_start3A_20 = arith.constant 0 : i32
    %dma_start3A_21 = tpu.memref_slice %arg5[%dma_start3A_14, %dma_start3A_20] : memref<200x128xi32, #tpu.memory_space<vmem>> -> memref<1x128xi32, #tpu.memory_space<vmem>>
    %dma_start3A_22 = tpu.memref_squeeze %dma_start3A_21 : memref<1x128xi32, #tpu.memory_space<vmem>> -> memref<128xi32, #tpu.memory_space<vmem>>
    %dma_start3A_23 = arith.constant 0 : i32
    %dma_start3A_24 = arith.constant 0 : i32
    %dma_start3A_25 = tpu.memref_slice %arg3[%dma_start3A_23, %dma_start3A_24] : memref<1048576x128xf32, #tpu.memory_space<hbm>> -> memref<1048576x128xf32, #tpu.memory_space<hbm>>
    tpu.enqueue_indirect_dma source(%dma_start3A_25 : memref<1048576x128xf32, #tpu.memory_space<hbm>>) target(%dma_start3A_19 : memref<128x128xf32, #tpu.memory_space<vmem>>) offsets(%dma_start3A_22 : memref<128xi32, #tpu.memory_space<vmem>>) semaphore(%arg8 : memref<!tpu.dma_semaphore, #tpu.memory_space<semaphore_mem>>)
    %dma_start3A_26 = arith.constant 2 : i32
    %dma_start3A_27 = arith.constant 2 : i32
    %dma_start3A_28 = arith.constant 0 : i32
    %dma_start3A_29 = arith.constant 0 : i32
    %dma_start3A_30 = tpu.memref_slice %arg6[%dma_start3A_27, %dma_start3A_28, %dma_start3A_29] : memref<5x128x128xf32, #tpu.memory_space<vmem>> -> memref<1x128x128xf32, #tpu.memory_space<vmem>>
    %dma_start3A_31 = tpu.memref_squeeze %dma_start3A_30 : memref<1x128x128xf32, #tpu.memory_space<vmem>> -> memref<128x128xf32, #tpu.memory_space<vmem>>
    %dma_start3A_32 = arith.constant 0 : i32
    %dma_start3A_33 = tpu.memref_slice %arg5[%dma_start3A_26, %dma_start3A_32] : memref<200x128xi32, #tpu.memory_space<vmem>> -> memref<1x128xi32, #tpu.memory_space<vmem>>
    %dma_start3A_34 = tpu.memref_squeeze %dma_start3A_33 : memref<1x128xi32, #tpu.memory_space<vmem>> -> memref<128xi32, #tpu.memory_space<vmem>>
    %dma_start3A_35 = arith.constant 0 : i32
    %dma_start3A_36 = arith.constant 0 : i32
    %dma_start3A_37 = tpu.memref_slice %arg3[%dma_start3A_35, %dma_start3A_36] : memref<1048576x128xf32, #tpu.memory_space<hbm>> -> memref<1048576x128xf32, #tpu.memory_space<hbm>>
    tpu.enqueue_indirect_dma source(%dma_start3A_37 : memref<1048576x128xf32, #tpu.memory_space<hbm>>) target(%dma_start3A_31 : memref<128x128xf32, #tpu.memory_space<vmem>>) offsets(%dma_start3A_34 : memref<128xi32, #tpu.memory_space<vmem>>) semaphore(%arg9 : memref<!tpu.dma_semaphore, #tpu.memory_space<semaphore_mem>>)
    %dma_start3A_38 = arith.constant 3 : i32
    %dma_start3A_39 = arith.constant 3 : i32
    %dma_start3A_40 = arith.constant 0 : i32
    %dma_start3A_41 = arith.constant 0 : i32
    %dma_start3A_42 = tpu.memref_slice %arg6[%dma_start3A_39, %dma_start3A_40, %dma_start3A_41] : memref<5x128x128xf32, #tpu.memory_space<vmem>> -> memref<1x128x128xf32, #tpu.memory_space<vmem>>
    %dma_start3A_43 = tpu.memref_squeeze %dma_start3A_42 : memref<1x128x128xf32, #tpu.memory_space<vmem>> -> memref<128x128xf32, #tpu.memory_space<vmem>>
    %dma_start3A_44 = arith.constant 0 : i32
    %dma_start3A_45 = tpu.memref_slice %arg5[%dma_start3A_38, %dma_start3A_44] : memref<200x128xi32, #tpu.memory_space<vmem>> -> memref<1x128xi32, #tpu.memory_space<vmem>>
    %dma_start3A_46 = tpu.memref_squeeze %dma_start3A_45 : memref<1x128xi32, #tpu.memory_space<vmem>> -> memref<128xi32, #tpu.memory_space<vmem>>
    %dma_start3A_47 = arith.constant 0 : i32
    %dma_start3A_48 = arith.constant 0 : i32
    %dma_start3A_49 = tpu.memref_slice %arg3[%dma_start3A_47, %dma_start3A_48] : memref<1048576x128xf32, #tpu.memory_space<hbm>> -> memref<1048576x128xf32, #tpu.memory_space<hbm>>
    tpu.enqueue_indirect_dma source(%dma_start3A_49 : memref<1048576x128xf32, #tpu.memory_space<hbm>>) target(%dma_start3A_43 : memref<128x128xf32, #tpu.memory_space<vmem>>) offsets(%dma_start3A_46 : memref<128xi32, #tpu.memory_space<vmem>>) semaphore(%arg10 : memref<!tpu.dma_semaphore, #tpu.memory_space<semaphore_mem>>)
    %dma_wait3A = arith.constant 0 : i32
    %dma_wait3A_50 = arith.constant 0 : i32
    %dma_wait3A_51 = arith.constant 0 : i32
    %dma_wait3A_52 = arith.constant 0 : i32
    %dma_wait3A_53 = tpu.memref_slice %arg6[%dma_wait3A_50, %dma_wait3A_51, %dma_wait3A_52] : memref<5x128x128xf32, #tpu.memory_space<vmem>> -> memref<1x128x128xf32, #tpu.memory_space<vmem>>
    %dma_wait3A_54 = tpu.memref_squeeze %dma_wait3A_53 : memref<1x128x128xf32, #tpu.memory_space<vmem>> -> memref<128x128xf32, #tpu.memory_space<vmem>>
    %dma_wait3A_55 = arith.constant 0 : i32
    %dma_wait3A_56 = tpu.memref_slice %arg5[%dma_wait3A, %dma_wait3A_55] : memref<200x128xi32, #tpu.memory_space<vmem>> -> memref<1x128xi32, #tpu.memory_space<vmem>>
    %dma_wait3A_57 = tpu.memref_squeeze %dma_wait3A_56 : memref<1x128xi32, #tpu.memory_space<vmem>> -> memref<128xi32, #tpu.memory_space<vmem>>
    %dma_wait3A_58 = arith.constant 0 : i32
    %dma_wait3A_59 = arith.constant 0 : i32
    %dma_wait3A_60 = tpu.memref_slice %arg3[%dma_wait3A_58, %dma_wait3A_59] : memref<1048576x128xf32, #tpu.memory_space<hbm>> -> memref<1048576x128xf32, #tpu.memory_space<hbm>>
    tpu.wait_indirect_dma semaphore(%arg7 : memref<!tpu.dma_semaphore, #tpu.memory_space<semaphore_mem>>) src(%dma_wait3A_60 : memref<1048576x128xf32, #tpu.memory_space<hbm>>) dst(%dma_wait3A_54 : memref<128x128xf32, #tpu.memory_space<vmem>>)
    %add3A_61 = arith.constant 0 : i32
    %add3A_62 = arith.addi %mul3A_2, %add3A_61 : i32
    %dma_start3A_63 = arith.constant 0 : i32
    %dma_start3A_64 = arith.constant 0 : i32
    %dma_start3A_65 = arith.constant 0 : i32
    %dma_start3A_66 = tpu.memref_slice %arg6[%dma_start3A_63, %dma_start3A_64, %dma_start3A_65] : memref<5x128x128xf32, #tpu.memory_space<vmem>> -> memref<1x128x128xf32, #tpu.memory_space<vmem>>
    %dma_start3A_67 = tpu.memref_squeeze %dma_start3A_66 : memref<1x128x128xf32, #tpu.memory_space<vmem>> -> memref<128x128xf32, #tpu.memory_space<vmem>>
    %dma_start3A_68 = arith.constant 0 : i32
    %dma_start3A_69 = tpu.memref_slice %arg4[%add3A_62, %dma_start3A_68] : memref<819200x128xf32, #tpu.memory_space<hbm>> -> memref<128x128xf32, #tpu.memory_space<hbm>>
    %dma_start3A_70 = arith.constant 0 : i32
    %dma_start3A_71 = tpu.memref_slice %arg4[%add3A_62, %dma_start3A_70] : memref<819200x128xf32, #tpu.memory_space<hbm>> -> memref<128x128xf32, #tpu.memory_space<hbm>>
    %dma_start3A_72 = arith.constant 0 : i32
    %dma_start3A_73 = arith.constant 0 : i32
    %dma_start3A_74 = tpu.memref_slice %arg6[%dma_start3A_63, %dma_start3A_72, %dma_start3A_73] : memref<5x128x128xf32, #tpu.memory_space<vmem>> -> memref<1x128x128xf32, #tpu.memory_space<vmem>>
    %dma_start3A_75 = tpu.memref_squeeze %dma_start3A_74 : memref<1x128x128xf32, #tpu.memory_space<vmem>> -> memref<128x128xf32, #tpu.memory_space<vmem>>
    tpu.enqueue_dma source(%dma_start3A_75 : memref<128x128xf32, #tpu.memory_space<vmem>>) target(%dma_start3A_71 : memref<128x128xf32, #tpu.memory_space<hbm>>) target_semaphore(%arg12 : memref<!tpu.dma_semaphore, #tpu.memory_space<semaphore_mem>>)
    %dma_start3A_76 = arith.constant 4 : i32
    %dma_start3A_77 = arith.constant 4 : i32
    %dma_start3A_78 = arith.constant 0 : i32
    %dma_start3A_79 = arith.constant 0 : i32
    %dma_start3A_80 = tpu.memref_slice %arg6[%dma_start3A_77, %dma_start3A_78, %dma_start3A_79] : memref<5x128x128xf32, #tpu.memory_space<vmem>> -> memref<1x128x128xf32, #tpu.memory_space<vmem>>
    %dma_start3A_81 = tpu.memref_squeeze %dma_start3A_80 : memref<1x128x128xf32, #tpu.memory_space<vmem>> -> memref<128x128xf32, #tpu.memory_space<vmem>>
    %dma_start3A_82 = arith.constant 0 : i32
    %dma_start3A_83 = tpu.memref_slice %arg5[%dma_start3A_76, %dma_start3A_82] : memref<200x128xi32, #tpu.memory_space<vmem>> -> memref<1x128xi32, #tpu.memory_space<vmem>>
    %dma_start3A_84 = tpu.memref_squeeze %dma_start3A_83 : memref<1x128xi32, #tpu.memory_space<vmem>> -> memref<128xi32, #tpu.memory_space<vmem>>
    %dma_start3A_85 = arith.constant 0 : i32
    %dma_start3A_86 = arith.constant 0 : i32
    %dma_start3A_87 = tpu.memref_slice %arg3[%dma_start3A_85, %dma_start3A_86] : memref<1048576x128xf32, #tpu.memory_space<hbm>> -> memref<1048576x128xf32, #tpu.memory_space<hbm>>
    tpu.enqueue_indirect_dma source(%dma_start3A_87 : memref<1048576x128xf32, #tpu.memory_space<hbm>>) target(%dma_start3A_81 : memref<128x128xf32, #tpu.memory_space<vmem>>) offsets(%dma_start3A_84 : memref<128xi32, #tpu.memory_space<vmem>>) semaphore(%arg11 : memref<!tpu.dma_semaphore, #tpu.memory_space<semaphore_mem>>)
    %dma_wait3A_88 = arith.constant 1 : i32
    %dma_wait3A_89 = arith.constant 1 : i32
    %dma_wait3A_90 = arith.constant 0 : i32
    %dma_wait3A_91 = arith.constant 0 : i32
    %dma_wait3A_92 = tpu.memref_slice %arg6[%dma_wait3A_89, %dma_wait3A_90, %dma_wait3A_91] : memref<5x128x128xf32, #tpu.memory_space<vmem>> -> memref<1x128x128xf32, #tpu.memory_space<vmem>>
    %dma_wait3A_93 = tpu.memref_squeeze %dma_wait3A_92 : memref<1x128x128xf32, #tpu.memory_space<vmem>> -> memref<128x128xf32, #tpu.memory_space<vmem>>
    %dma_wait3A_94 = arith.constant 0 : i32
    %dma_wait3A_95 = tpu.memref_slice %arg5[%dma_wait3A_88, %dma_wait3A_94] : memref<200x128xi32, #tpu.memory_space<vmem>> -> memref<1x128xi32, #tpu.memory_space<vmem>>
    %dma_wait3A_96 = tpu.memref_squeeze %dma_wait3A_95 : memref<1x128xi32, #tpu.memory_space<vmem>> -> memref<128xi32, #tpu.memory_space<vmem>>
    %dma_wait3A_97 = arith.constant 0 : i32
    %dma_wait3A_98 = arith.constant 0 : i32
    %dma_wait3A_99 = tpu.memref_slice %arg3[%dma_wait3A_97, %dma_wait3A_98] : memref<1048576x128xf32, #tpu.memory_space<hbm>> -> memref<1048576x128xf32, #tpu.memory_space<hbm>>
    tpu.wait_indirect_dma semaphore(%arg8 : memref<!tpu.dma_semaphore, #tpu.memory_space<semaphore_mem>>) src(%dma_wait3A_99 : memref<1048576x128xf32, #tpu.memory_space<hbm>>) dst(%dma_wait3A_93 : memref<128x128xf32, #tpu.memory_space<vmem>>)
    %add3A_100 = arith.constant 128 : i32
    %add3A_101 = arith.addi %mul3A_2, %add3A_100 : i32
    %dma_start3A_102 = arith.constant 1 : i32
    %dma_start3A_103 = arith.constant 0 : i32
    %dma_start3A_104 = arith.constant 0 : i32
    %dma_start3A_105 = tpu.memref_slice %arg6[%dma_start3A_102, %dma_start3A_103, %dma_start3A_104] : memref<5x128x128xf32, #tpu.memory_space<vmem>> -> memref<1x128x128xf32, #tpu.memory_space<vmem>>
    %dma_start3A_106 = tpu.memref_squeeze %dma_start3A_105 : memref<1x128x128xf32, #tpu.memory_space<vmem>> -> memref<128x128xf32, #tpu.memory_space<vmem>>
    %dma_start3A_107 = arith.constant 0 : i32
    %dma_start3A_108 = tpu.memref_slice %arg4[%add3A_101, %dma_start3A_107] : memref<819200x128xf32, #tpu.memory_space<hbm>> -> memref<128x128xf32, #tpu.memory_space<hbm>>
    %dma_start3A_109 = arith.constant 0 : i32
    %dma_start3A_110 = tpu.memref_slice %arg4[%add3A_101, %dma_start3A_109] : memref<819200x128xf32, #tpu.memory_space<hbm>> -> memref<128x128xf32, #tpu.memory_space<hbm>>
    %dma_start3A_111 = arith.constant 0 : i32
    %dma_start3A_112 = arith.constant 0 : i32
    %dma_start3A_113 = tpu.memref_slice %arg6[%dma_start3A_102, %dma_start3A_111, %dma_start3A_112] : memref<5x128x128xf32, #tpu.memory_space<vmem>> -> memref<1x128x128xf32, #tpu.memory_space<vmem>>
    %dma_start3A_114 = tpu.memref_squeeze %dma_start3A_113 : memref<1x128x128xf32, #tpu.memory_space<vmem>> -> memref<128x128xf32, #tpu.memory_space<vmem>>
    tpu.enqueue_dma source(%dma_start3A_114 : memref<128x128xf32, #tpu.memory_space<vmem>>) target(%dma_start3A_110 : memref<128x128xf32, #tpu.memory_space<hbm>>) target_semaphore(%arg13 : memref<!tpu.dma_semaphore, #tpu.memory_space<semaphore_mem>>)
    %add3A_115 = arith.constant 0 : i32
    %add3A_116 = arith.addi %mul3A_2, %add3A_115 : i32
    %dma_wait3A_117 = arith.constant 0 : i32
    %dma_wait3A_118 = arith.constant 0 : i32
    %dma_wait3A_119 = arith.constant 0 : i32
    %dma_wait3A_120 = tpu.memref_slice %arg6[%dma_wait3A_117, %dma_wait3A_118, %dma_wait3A_119] : memref<5x128x128xf32, #tpu.memory_space<vmem>> -> memref<1x128x128xf32, #tpu.memory_space<vmem>>
    %dma_wait3A_121 = tpu.memref_squeeze %dma_wait3A_120 : memref<1x128x128xf32, #tpu.memory_space<vmem>> -> memref<128x128xf32, #tpu.memory_space<vmem>>
    %dma_wait3A_122 = arith.constant 0 : i32
    %dma_wait3A_123 = tpu.memref_slice %arg4[%add3A_116, %dma_wait3A_122] : memref<819200x128xf32, #tpu.memory_space<hbm>> -> memref<128x128xf32, #tpu.memory_space<hbm>>
    %dma_wait3A_124 = arith.constant 0 : i32
    %dma_wait3A_125 = tpu.memref_slice %arg4[%add3A_116, %dma_wait3A_124] : memref<819200x128xf32, #tpu.memory_space<hbm>> -> memref<128x128xf32, #tpu.memory_space<hbm>>
    %dma_wait3A_126 = arith.constant 0 : i32
    %dma_wait3A_127 = arith.constant 0 : i32
    %dma_wait3A_128 = tpu.memref_slice %arg6[%dma_wait3A_117, %dma_wait3A_126, %dma_wait3A_127] : memref<5x128x128xf32, #tpu.memory_space<vmem>> -> memref<1x128x128xf32, #tpu.memory_space<vmem>>
    %dma_wait3A_129 = tpu.memref_squeeze %dma_wait3A_128 : memref<1x128x128xf32, #tpu.memory_space<vmem>> -> memref<128x128xf32, #tpu.memory_space<vmem>>
    tpu.wait_dma2 semaphore(%arg12 : memref<!tpu.dma_semaphore, #tpu.memory_space<semaphore_mem>>) src(%dma_wait3A_129 : memref<128x128xf32, #tpu.memory_space<vmem>>) dst(%dma_wait3A_125 : memref<128x128xf32, #tpu.memory_space<hbm>>)
    %dma_start3A_130 = arith.constant 5 : i32
    %dma_start3A_131 = arith.constant 0 : i32
    %dma_start3A_132 = arith.constant 0 : i32
    %dma_start3A_133 = arith.constant 0 : i32
    %dma_start3A_134 = tpu.memref_slice %arg6[%dma_start3A_131, %dma_start3A_132, %dma_start3A_133] : memref<5x128x128xf32, #tpu.memory_space<vmem>> -> memref<1x128x128xf32, #tpu.memory_space<vmem>>
    %dma_start3A_135 = tpu.memref_squeeze %dma_start3A_134 : memref<1x128x128xf32, #tpu.memory_space<vmem>> -> memref<128x128xf32, #tpu.memory_space<vmem>>
    %dma_start3A_136 = arith.constant 0 : i32
    %dma_start3A_137 = tpu.memref_slice %arg5[%dma_start3A_130, %dma_start3A_136] : memref<200x128xi32, #tpu.memory_space<vmem>> -> memref<1x128xi32, #tpu.memory_space<vmem>>
    %dma_start3A_138 = tpu.memref_squeeze %dma_start3A_137 : memref<1x128xi32, #tpu.memory_space<vmem>> -> memref<128xi32, #tpu.memory_space<vmem>>
    %dma_start3A_139 = arith.constant 0 : i32
    %dma_start3A_140 = arith.constant 0 : i32
    %dma_start3A_141 = tpu.memref_slice %arg3[%dma_start3A_139, %dma_start3A_140] : memref<1048576x128xf32, #tpu.memory_space<hbm>> -> memref<1048576x128xf32, #tpu.memory_space<hbm>>
    tpu.enqueue_indirect_dma source(%dma_start3A_141 : memref<1048576x128xf32, #tpu.memory_space<hbm>>) target(%dma_start3A_135 : memref<128x128xf32, #tpu.memory_space<vmem>>) offsets(%dma_start3A_138 : memref<128xi32, #tpu.memory_space<vmem>>) semaphore(%arg7 : memref<!tpu.dma_semaphore, #tpu.memory_space<semaphore_mem>>)
    %dma_wait3A_142 = arith.constant 2 : i32
    %dma_wait3A_143 = arith.constant 2 : i32
    %dma_wait3A_144 = arith.constant 0 : i32
    %dma_wait3A_145 = arith.constant 0 : i32
    %dma_wait3A_146 = tpu.memref_slice %arg6[%dma_wait3A_143, %dma_wait3A_144, %dma_wait3A_145] : memref<5x128x128xf32, #tpu.memory_space<vmem>> -> memref<1x128x128xf32, #tpu.memory_space<vmem>>
    %dma_wait3A_147 = tpu.memref_squeeze %dma_wait3A_146 : memref<1x128x128xf32, #tpu.memory_space<vmem>> -> memref<128x128xf32, #tpu.memory_space<vmem>>
    %dma_wait3A_148 = arith.constant 0 : i32
    %dma_wait3A_149 = tpu.memref_slice %arg5[%dma_wait3A_142, %dma_wait3A_148] : memref<200x128xi32, #tpu.memory_space<vmem>> -> memref<1x128xi32, #tpu.memory_space<vmem>>
    %dma_wait3A_150 = tpu.memref_squeeze %dma_wait3A_149 : memref<1x128xi32, #tpu.memory_space<vmem>> -> memref<128xi32, #tpu.memory_space<vmem>>
    %dma_wait3A_151 = arith.constant 0 : i32
    %dma_wait3A_152 = arith.constant 0 : i32
    %dma_wait3A_153 = tpu.memref_slice %arg3[%dma_wait3A_151, %dma_wait3A_152] : memref<1048576x128xf32, #tpu.memory_space<hbm>> -> memref<1048576x128xf32, #tpu.memory_space<hbm>>
    tpu.wait_indirect_dma semaphore(%arg9 : memref<!tpu.dma_semaphore, #tpu.memory_space<semaphore_mem>>) src(%dma_wait3A_153 : memref<1048576x128xf32, #tpu.memory_space<hbm>>) dst(%dma_wait3A_147 : memref<128x128xf32, #tpu.memory_space<vmem>>)
    %add3A_154 = arith.constant 256 : i32
    %add3A_155 = arith.addi %mul3A_2, %add3A_154 : i32
    %dma_start3A_156 = arith.constant 2 : i32
    %dma_start3A_157 = arith.constant 0 : i32
    %dma_start3A_158 = arith.constant 0 : i32
    %dma_start3A_159 = tpu.memref_slice %arg6[%dma_start3A_156, %dma_start3A_157, %dma_start3A_158] : memref<5x128x128xf32, #tpu.memory_space<vmem>> -> memref<1x128x128xf32, #tpu.memory_space<vmem>>
    %dma_start3A_160 = tpu.memref_squeeze %dma_start3A_159 : memref<1x128x128xf32, #tpu.memory_space<vmem>> -> memref<128x128xf32, #tpu.memory_space<vmem>>
    %dma_start3A_161 = arith.constant 0 : i32
    %dma_start3A_162 = tpu.memref_slice %arg4[%add3A_155, %dma_start3A_161] : memref<819200x128xf32, #tpu.memory_space<hbm>> -> memref<128x128xf32, #tpu.memory_space<hbm>>
    %dma_start3A_163 = arith.constant 0 : i32
    %dma_start3A_164 = tpu.memref_slice %arg4[%add3A_155, %dma_start3A_163] : memref<819200x128xf32, #tpu.memory_space<hbm>> -> memref<128x128xf32, #tpu.memory_space<hbm>>
    %dma_start3A_165 = arith.constant 0 : i32
    %dma_start3A_166 = arith.constant 0 : i32
    %dma_start3A_167 = tpu.memref_slice %arg6[%dma_start3A_156, %dma_start3A_165, %dma_start3A_166] : memref<5x128x128xf32, #tpu.memory_space<vmem>> -> memref<1x128x128xf32, #tpu.memory_space<vmem>>
    %dma_start3A_168 = tpu.memref_squeeze %dma_start3A_167 : memref<1x128x128xf32, #tpu.memory_space<vmem>> -> memref<128x128xf32, #tpu.memory_space<vmem>>
    tpu.enqueue_dma source(%dma_start3A_168 : memref<128x128xf32, #tpu.memory_space<vmem>>) target(%dma_start3A_164 : memref<128x128xf32, #tpu.memory_space<hbm>>) target_semaphore(%arg14 : memref<!tpu.dma_semaphore, #tpu.memory_space<semaphore_mem>>)
    %add3A_169 = arith.constant 128 : i32
    %add3A_170 = arith.addi %mul3A_2, %add3A_169 : i32
    %dma_wait3A_171 = arith.constant 1 : i32
    %dma_wait3A_172 = arith.constant 0 : i32
    %dma_wait3A_173 = arith.constant 0 : i32
    %dma_wait3A_174 = tpu.memref_slice %arg6[%dma_wait3A_171, %dma_wait3A_172, %dma_wait3A_173] : memref<5x128x128xf32, #tpu.memory_space<vmem>> -> memref<1x128x128xf32, #tpu.memory_space<vmem>>
    %dma_wait3A_175 = tpu.memref_squeeze %dma_wait3A_174 : memref<1x128x128xf32, #tpu.memory_space<vmem>> -> memref<128x128xf32, #tpu.memory_space<vmem>>
    %dma_wait3A_176 = arith.constant 0 : i32
    %dma_wait3A_177 = tpu.memref_slice %arg4[%add3A_170, %dma_wait3A_176] : memref<819200x128xf32, #tpu.memory_space<hbm>> -> memref<128x128xf32, #tpu.memory_space<hbm>>
    %dma_wait3A_178 = arith.constant 0 : i32
    %dma_wait3A_179 = tpu.memref_slice %arg4[%add3A_170, %dma_wait3A_178] : memref<819200x128xf32, #tpu.memory_space<hbm>> -> memref<128x128xf32, #tpu.memory_space<hbm>>
    %dma_wait3A_180 = arith.constant 0 : i32
    %dma_wait3A_181 = arith.constant 0 : i32
    %dma_wait3A_182 = tpu.memref_slice %arg6[%dma_wait3A_171, %dma_wait3A_180, %dma_wait3A_181] : memref<5x128x128xf32, #tpu.memory_space<vmem>> -> memref<1x128x128xf32, #tpu.memory_space<vmem>>
    %dma_wait3A_183 = tpu.memref_squeeze %dma_wait3A_182 : memref<1x128x128xf32, #tpu.memory_space<vmem>> -> memref<128x128xf32, #tpu.memory_space<vmem>>
    tpu.wait_dma2 semaphore(%arg13 : memref<!tpu.dma_semaphore, #tpu.memory_space<semaphore_mem>>) src(%dma_wait3A_183 : memref<128x128xf32, #tpu.memory_space<vmem>>) dst(%dma_wait3A_179 : memref<128x128xf32, #tpu.memory_space<hbm>>)
    %dma_start3A_184 = arith.constant 6 : i32
    %dma_start3A_185 = arith.constant 1 : i32
    %dma_start3A_186 = arith.constant 0 : i32
    %dma_start3A_187 = arith.constant 0 : i32
    %dma_start3A_188 = tpu.memref_slice %arg6[%dma_start3A_185, %dma_start3A_186, %dma_start3A_187] : memref<5x128x128xf32, #tpu.memory_space<vmem>> -> memref<1x128x128xf32, #tpu.memory_space<vmem>>
    %dma_start3A_189 = tpu.memref_squeeze %dma_start3A_188 : memref<1x128x128xf32, #tpu.memory_space<vmem>> -> memref<128x128xf32, #tpu.memory_space<vmem>>
    %dma_start3A_190 = arith.constant 0 : i32
    %dma_start3A_191 = tpu.memref_slice %arg5[%dma_start3A_184, %dma_start3A_190] : memref<200x128xi32, #tpu.memory_space<vmem>> -> memref<1x128xi32, #tpu.memory_space<vmem>>
    %dma_start3A_192 = tpu.memref_squeeze %dma_start3A_191 : memref<1x128xi32, #tpu.memory_space<vmem>> -> memref<128xi32, #tpu.memory_space<vmem>>
    %dma_start3A_193 = arith.constant 0 : i32
    %dma_start3A_194 = arith.constant 0 : i32
    %dma_start3A_195 = tpu.memref_slice %arg3[%dma_start3A_193, %dma_start3A_194] : memref<1048576x128xf32, #tpu.memory_space<hbm>> -> memref<1048576x128xf32, #tpu.memory_space<hbm>>
    tpu.enqueue_indirect_dma source(%dma_start3A_195 : memref<1048576x128xf32, #tpu.memory_space<hbm>>) target(%dma_start3A_189 : memref<128x128xf32, #tpu.memory_space<vmem>>) offsets(%dma_start3A_192 : memref<128xi32, #tpu.memory_space<vmem>>) semaphore(%arg8 : memref<!tpu.dma_semaphore, #tpu.memory_space<semaphore_mem>>)
    %dma_wait3A_196 = arith.constant 3 : i32
    %dma_wait3A_197 = arith.constant 3 : i32
    %dma_wait3A_198 = arith.constant 0 : i32
    %dma_wait3A_199 = arith.constant 0 : i32
    %dma_wait3A_200 = tpu.memref_slice %arg6[%dma_wait3A_197, %dma_wait3A_198, %dma_wait3A_199] : memref<5x128x128xf32, #tpu.memory_space<vmem>> -> memref<1x128x128xf32, #tpu.memory_space<vmem>>
    %dma_wait3A_201 = tpu.memref_squeeze %dma_wait3A_200 : memref<1x128x128xf32, #tpu.memory_space<vmem>> -> memref<128x128xf32, #tpu.memory_space<vmem>>
    %dma_wait3A_202 = arith.constant 0 : i32
    %dma_wait3A_203 = tpu.memref_slice %arg5[%dma_wait3A_196, %dma_wait3A_202] : memref<200x128xi32, #tpu.memory_space<vmem>> -> memref<1x128xi32, #tpu.memory_space<vmem>>
    %dma_wait3A_204 = tpu.memref_squeeze %dma_wait3A_203 : memref<1x128xi32, #tpu.memory_space<vmem>> -> memref<128xi32, #tpu.memory_space<vmem>>
    %dma_wait3A_205 = arith.constant 0 : i32
    %dma_wait3A_206 = arith.constant 0 : i32
    %dma_wait3A_207 = tpu.memref_slice %arg3[%dma_wait3A_205, %dma_wait3A_206] : memref<1048576x128xf32, #tpu.memory_space<hbm>> -> memref<1048576x128xf32, #tpu.memory_space<hbm>>
    tpu.wait_indirect_dma semaphore(%arg10 : memref<!tpu.dma_semaphore, #tpu.memory_space<semaphore_mem>>) src(%dma_wait3A_207 : memref<1048576x128xf32, #tpu.memory_space<hbm>>) dst(%dma_wait3A_201 : memref<128x128xf32, #tpu.memory_space<vmem>>)
    %add3A_208 = arith.constant 384 : i32
    %add3A_209 = arith.addi %mul3A_2, %add3A_208 : i32
    %dma_start3A_210 = arith.constant 3 : i32
    %dma_start3A_211 = arith.constant 0 : i32
    %dma_start3A_212 = arith.constant 0 : i32
    %dma_start3A_213 = tpu.memref_slice %arg6[%dma_start3A_210, %dma_start3A_211, %dma_start3A_212] : memref<5x128x128xf32, #tpu.memory_space<vmem>> -> memref<1x128x128xf32, #tpu.memory_space<vmem>>
    %dma_start3A_214 = tpu.memref_squeeze %dma_start3A_213 : memref<1x128x128xf32, #tpu.memory_space<vmem>> -> memref<128x128xf32, #tpu.memory_space<vmem>>
    %dma_start3A_215 = arith.constant 0 : i32
    %dma_start3A_216 = tpu.memref_slice %arg4[%add3A_209, %dma_start3A_215] : memref<819200x128xf32, #tpu.memory_space<hbm>> -> memref<128x128xf32, #tpu.memory_space<hbm>>
    %dma_start3A_217 = arith.constant 0 : i32
    %dma_start3A_218 = tpu.memref_slice %arg4[%add3A_209, %dma_start3A_217] : memref<819200x128xf32, #tpu.memory_space<hbm>> -> memref<128x128xf32, #tpu.memory_space<hbm>>
    %dma_start3A_219 = arith.constant 0 : i32
    %dma_start3A_220 = arith.constant 0 : i32
    %dma_start3A_221 = tpu.memref_slice %arg6[%dma_start3A_210, %dma_start3A_219, %dma_start3A_220] : memref<5x128x128xf32, #tpu.memory_space<vmem>> -> memref<1x128x128xf32, #tpu.memory_space<vmem>>
    %dma_start3A_222 = tpu.memref_squeeze %dma_start3A_221 : memref<1x128x128xf32, #tpu.memory_space<vmem>> -> memref<128x128xf32, #tpu.memory_space<vmem>>
    tpu.enqueue_dma source(%dma_start3A_222 : memref<128x128xf32, #tpu.memory_space<vmem>>) target(%dma_start3A_218 : memref<128x128xf32, #tpu.memory_space<hbm>>) target_semaphore(%arg15 : memref<!tpu.dma_semaphore, #tpu.memory_space<semaphore_mem>>)
    %add3A_223 = arith.constant 256 : i32
    %add3A_224 = arith.addi %mul3A_2, %add3A_223 : i32
    %dma_wait3A_225 = arith.constant 2 : i32
    %dma_wait3A_226 = arith.constant 0 : i32
    %dma_wait3A_227 = arith.constant 0 : i32
    %dma_wait3A_228 = tpu.memref_slice %arg6[%dma_wait3A_225, %dma_wait3A_226, %dma_wait3A_227] : memref<5x128x128xf32, #tpu.memory_space<vmem>> -> memref<1x128x128xf32, #tpu.memory_space<vmem>>
    %dma_wait3A_229 = tpu.memref_squeeze %dma_wait3A_228 : memref<1x128x128xf32, #tpu.memory_space<vmem>> -> memref<128x128xf32, #tpu.memory_space<vmem>>
    %dma_wait3A_230 = arith.constant 0 : i32
    %dma_wait3A_231 = tpu.memref_slice %arg4[%add3A_224, %dma_wait3A_230] : memref<819200x128xf32, #tpu.memory_space<hbm>> -> memref<128x128xf32, #tpu.memory_space<hbm>>
    %dma_wait3A_232 = arith.constant 0 : i32
    %dma_wait3A_233 = tpu.memref_slice %arg4[%add3A_224, %dma_wait3A_232] : memref<819200x128xf32, #tpu.memory_space<hbm>> -> memref<128x128xf32, #tpu.memory_space<hbm>>
    %dma_wait3A_234 = arith.constant 0 : i32
    %dma_wait3A_235 = arith.constant 0 : i32
    %dma_wait3A_236 = tpu.memref_slice %arg6[%dma_wait3A_225, %dma_wait3A_234, %dma_wait3A_235] : memref<5x128x128xf32, #tpu.memory_space<vmem>> -> memref<1x128x128xf32, #tpu.memory_space<vmem>>
    %dma_wait3A_237 = tpu.memref_squeeze %dma_wait3A_236 : memref<1x128x128xf32, #tpu.memory_space<vmem>> -> memref<128x128xf32, #tpu.memory_space<vmem>>
    tpu.wait_dma2 semaphore(%arg14 : memref<!tpu.dma_semaphore, #tpu.memory_space<semaphore_mem>>) src(%dma_wait3A_237 : memref<128x128xf32, #tpu.memory_space<vmem>>) dst(%dma_wait3A_233 : memref<128x128xf32, #tpu.memory_space<hbm>>)
    %dma_start3A_238 = arith.constant 7 : i32
    %dma_start3A_239 = arith.constant 2 : i32
    %dma_start3A_240 = arith.constant 0 : i32
    %dma_start3A_241 = arith.constant 0 : i32
    %dma_start3A_242 = tpu.memref_slice %arg6[%dma_start3A_239, %dma_start3A_240, %dma_start3A_241] : memref<5x128x128xf32, #tpu.memory_space<vmem>> -> memref<1x128x128xf32, #tpu.memory_space<vmem>>
    %dma_start3A_243 = tpu.memref_squeeze %dma_start3A_242 : memref<1x128x128xf32, #tpu.memory_space<vmem>> -> memref<128x128xf32, #tpu.memory_space<vmem>>
    %dma_start3A_244 = arith.constant 0 : i32
    %dma_start3A_245 = tpu.memref_slice %arg5[%dma_start3A_238, %dma_start3A_244] : memref<200x128xi32, #tpu.memory_space<vmem>> -> memref<1x128xi32, #tpu.memory_space<vmem>>
    %dma_start3A_246 = tpu.memref_squeeze %dma_start3A_245 : memref<1x128xi32, #tpu.memory_space<vmem>> -> memref<128xi32, #tpu.memory_space<vmem>>
    %dma_start3A_247 = arith.constant 0 : i32
    %dma_start3A_248 = arith.constant 0 : i32
    %dma_start3A_249 = tpu.memref_slice %arg3[%dma_start3A_247, %dma_start3A_248] : memref<1048576x128xf32, #tpu.memory_space<hbm>> -> memref<1048576x128xf32, #tpu.memory_space<hbm>>
    tpu.enqueue_indirect_dma source(%dma_start3A_249 : memref<1048576x128xf32, #tpu.memory_space<hbm>>) target(%dma_start3A_243 : memref<128x128xf32, #tpu.memory_space<vmem>>) offsets(%dma_start3A_246 : memref<128xi32, #tpu.memory_space<vmem>>) semaphore(%arg9 : memref<!tpu.dma_semaphore, #tpu.memory_space<semaphore_mem>>)
    %dma_wait3A_250 = arith.constant 4 : i32
    %dma_wait3A_251 = arith.constant 4 : i32
    %dma_wait3A_252 = arith.constant 0 : i32
    %dma_wait3A_253 = arith.constant 0 : i32
    %dma_wait3A_254 = tpu.memref_slice %arg6[%dma_wait3A_251, %dma_wait3A_252, %dma_wait3A_253] : memref<5x128x128xf32, #tpu.memory_space<vmem>> -> memref<1x128x128xf32, #tpu.memory_space<vmem>>
    %dma_wait3A_255 = tpu.memref_squeeze %dma_wait3A_254 : memref<1x128x128xf32, #tpu.memory_space<vmem>> -> memref<128x128xf32, #tpu.memory_space<vmem>>
    %dma_wait3A_256 = arith.constant 0 : i32
    %dma_wait3A_257 = tpu.memref_slice %arg5[%dma_wait3A_250, %dma_wait3A_256] : memref<200x128xi32, #tpu.memory_space<vmem>> -> memref<1x128xi32, #tpu.memory_space<vmem>>
    %dma_wait3A_258 = tpu.memref_squeeze %dma_wait3A_257 : memref<1x128xi32, #tpu.memory_space<vmem>> -> memref<128xi32, #tpu.memory_space<vmem>>
    %dma_wait3A_259 = arith.constant 0 : i32
    %dma_wait3A_260 = arith.constant 0 : i32
    %dma_wait3A_261 = tpu.memref_slice %arg3[%dma_wait3A_259, %dma_wait3A_260] : memref<1048576x128xf32, #tpu.memory_space<hbm>> -> memref<1048576x128xf32, #tpu.memory_space<hbm>>
    tpu.wait_indirect_dma semaphore(%arg11 : memref<!tpu.dma_semaphore, #tpu.memory_space<semaphore_mem>>) src(%dma_wait3A_261 : memref<1048576x128xf32, #tpu.memory_space<hbm>>) dst(%dma_wait3A_255 : memref<128x128xf32, #tpu.memory_space<vmem>>)
    %add3A_262 = arith.constant 512 : i32
    %add3A_263 = arith.addi %mul3A_2, %add3A_262 : i32
    %dma_start3A_264 = arith.constant 4 : i32
    %dma_start3A_265 = arith.constant 0 : i32
    %dma_start3A_266 = arith.constant 0 : i32
    %dma_start3A_267 = tpu.memref_slice %arg6[%dma_start3A_264, %dma_start3A_265, %dma_start3A_266] : memref<5x128x128xf32, #tpu.memory_space<vmem>> -> memref<1x128x128xf32, #tpu.memory_space<vmem>>
    %dma_start3A_268 = tpu.memref_squeeze %dma_start3A_267 : memref<1x128x128xf32, #tpu.memory_space<vmem>> -> memref<128x128xf32, #tpu.memory_space<vmem>>
    %dma_start3A_269 = arith.constant 0 : i32
    %dma_start3A_270 = tpu.memref_slice %arg4[%add3A_263, %dma_start3A_269] : memref<819200x128xf32, #tpu.memory_space<hbm>> -> memref<128x128xf32, #tpu.memory_space<hbm>>
    %dma_start3A_271 = arith.constant 0 : i32
    %dma_start3A_272 = tpu.memref_slice %arg4[%add3A_263, %dma_start3A_271] : memref<819200x128xf32, #tpu.memory_space<hbm>> -> memref<128x128xf32, #tpu.memory_space<hbm>>
    %dma_start3A_273 = arith.constant 0 : i32
    %dma_start3A_274 = arith.constant 0 : i32
    %dma_start3A_275 = tpu.memref_slice %arg6[%dma_start3A_264, %dma_start3A_273, %dma_start3A_274] : memref<5x128x128xf32, #tpu.memory_space<vmem>> -> memref<1x128x128xf32, #tpu.memory_space<vmem>>
    %dma_start3A_276 = tpu.memref_squeeze %dma_start3A_275 : memref<1x128x128xf32, #tpu.memory_space<vmem>> -> memref<128x128xf32, #tpu.memory_space<vmem>>
    tpu.enqueue_dma source(%dma_start3A_276 : memref<128x128xf32, #tpu.memory_space<vmem>>) target(%dma_start3A_272 : memref<128x128xf32, #tpu.memory_space<hbm>>) target_semaphore(%arg16 : memref<!tpu.dma_semaphore, #tpu.memory_space<semaphore_mem>>)
    %add3A_277 = arith.constant 384 : i32
    %add3A_278 = arith.addi %mul3A_2, %add3A_277 : i32
    %dma_wait3A_279 = arith.constant 3 : i32
    %dma_wait3A_280 = arith.constant 0 : i32
    %dma_wait3A_281 = arith.constant 0 : i32
    %dma_wait3A_282 = tpu.memref_slice %arg6[%dma_wait3A_279, %dma_wait3A_280, %dma_wait3A_281] : memref<5x128x128xf32, #tpu.memory_space<vmem>> -> memref<1x128x128xf32, #tpu.memory_space<vmem>>
    %dma_wait3A_283 = tpu.memref_squeeze %dma_wait3A_282 : memref<1x128x128xf32, #tpu.memory_space<vmem>> -> memref<128x128xf32, #tpu.memory_space<vmem>>
    %dma_wait3A_284 = arith.constant 0 : i32
    %dma_wait3A_285 = tpu.memref_slice %arg4[%add3A_278, %dma_wait3A_284] : memref<819200x128xf32, #tpu.memory_space<hbm>> -> memref<128x128xf32, #tpu.memory_space<hbm>>
    %dma_wait3A_286 = arith.constant 0 : i32
    %dma_wait3A_287 = tpu.memref_slice %arg4[%add3A_278, %dma_wait3A_286] : memref<819200x128xf32, #tpu.memory_space<hbm>> -> memref<128x128xf32, #tpu.memory_space<hbm>>
    %dma_wait3A_288 = arith.constant 0 : i32
    %dma_wait3A_289 = arith.constant 0 : i32
    %dma_wait3A_290 = tpu.memref_slice %arg6[%dma_wait3A_279, %dma_wait3A_288, %dma_wait3A_289] : memref<5x128x128xf32, #tpu.memory_space<vmem>> -> memref<1x128x128xf32, #tpu.memory_space<vmem>>
    %dma_wait3A_291 = tpu.memref_squeeze %dma_wait3A_290 : memref<1x128x128xf32, #tpu.memory_space<vmem>> -> memref<128x128xf32, #tpu.memory_space<vmem>>
    tpu.wait_dma2 semaphore(%arg15 : memref<!tpu.dma_semaphore, #tpu.memory_space<semaphore_mem>>) src(%dma_wait3A_291 : memref<128x128xf32, #tpu.memory_space<vmem>>) dst(%dma_wait3A_287 : memref<128x128xf32, #tpu.memory_space<hbm>>)
    %dma_start3A_292 = arith.constant 8 : i32
    %dma_start3A_293 = arith.constant 3 : i32
    %dma_start3A_294 = arith.constant 0 : i32
    %dma_start3A_295 = arith.constant 0 : i32
    %dma_start3A_296 = tpu.memref_slice %arg6[%dma_start3A_293, %dma_start3A_294, %dma_start3A_295] : memref<5x128x128xf32, #tpu.memory_space<vmem>> -> memref<1x128x128xf32, #tpu.memory_space<vmem>>
    %dma_start3A_297 = tpu.memref_squeeze %dma_start3A_296 : memref<1x128x128xf32, #tpu.memory_space<vmem>> -> memref<128x128xf32, #tpu.memory_space<vmem>>
    %dma_start3A_298 = arith.constant 0 : i32
    %dma_start3A_299 = tpu.memref_slice %arg5[%dma_start3A_292, %dma_start3A_298] : memref<200x128xi32, #tpu.memory_space<vmem>> -> memref<1x128xi32, #tpu.memory_space<vmem>>
    %dma_start3A_300 = tpu.memref_squeeze %dma_start3A_299 : memref<1x128xi32, #tpu.memory_space<vmem>> -> memref<128xi32, #tpu.memory_space<vmem>>
    %dma_start3A_301 = arith.constant 0 : i32
    %dma_start3A_302 = arith.constant 0 : i32
    %dma_start3A_303 = tpu.memref_slice %arg3[%dma_start3A_301, %dma_start3A_302] : memref<1048576x128xf32, #tpu.memory_space<hbm>> -> memref<1048576x128xf32, #tpu.memory_space<hbm>>
    tpu.enqueue_indirect_dma source(%dma_start3A_303 : memref<1048576x128xf32, #tpu.memory_space<hbm>>) target(%dma_start3A_297 : memref<128x128xf32, #tpu.memory_space<vmem>>) offsets(%dma_start3A_300 : memref<128xi32, #tpu.memory_space<vmem>>) semaphore(%arg10 : memref<!tpu.dma_semaphore, #tpu.memory_space<semaphore_mem>>)
    %scan3A = arith.constant 0 : i32
    %scan3A_304 = arith.constant 1 : i32
    %scan3A_305 = arith.constant 38 : i32
    %scan3A_306 = arith.addi %scan3A_304, %scan3A_305 : i32
    %scan3A_307 = arith.constant 1 : i32
    scf.for %scan3A_546 = %scan3A_304 to %scan3A_306 step %scan3A_307  : i32 {
      %mul3A_547 = arith.constant 5 : i32
      %mul3A_548 = arith.muli %scan3A_546, %mul3A_547 : i32
      %add3A_549 = arith.constant 0 : i32
      %add3A_550 = arith.addi %mul3A_548, %add3A_549 : i32
      %dma_wait3A_551 = arith.constant 0 : i32
      %dma_wait3A_552 = arith.constant 0 : i32
      %dma_wait3A_553 = arith.constant 0 : i32
      %dma_wait3A_554 = tpu.memref_slice %arg6[%dma_wait3A_551, %dma_wait3A_552, %dma_wait3A_553] : memref<5x128x128xf32, #tpu.memory_space<vmem>> -> memref<1x128x128xf32, #tpu.memory_space<vmem>>
      %dma_wait3A_555 = tpu.memref_squeeze %dma_wait3A_554 : memref<1x128x128xf32, #tpu.memory_space<vmem>> -> memref<128x128xf32, #tpu.memory_space<vmem>>
      %dma_wait3A_556 = arith.constant 0 : i32
      %dma_wait3A_557 = tpu.memref_slice %arg5[%add3A_550, %dma_wait3A_556] : memref<200x128xi32, #tpu.memory_space<vmem>> -> memref<1x128xi32, #tpu.memory_space<vmem>>
      %dma_wait3A_558 = tpu.memref_squeeze %dma_wait3A_557 : memref<1x128xi32, #tpu.memory_space<vmem>> -> memref<128xi32, #tpu.memory_space<vmem>>
      %dma_wait3A_559 = arith.constant 0 : i32
      %dma_wait3A_560 = arith.constant 0 : i32
      %dma_wait3A_561 = tpu.memref_slice %arg3[%dma_wait3A_559, %dma_wait3A_560] : memref<1048576x128xf32, #tpu.memory_space<hbm>> -> memref<1048576x128xf32, #tpu.memory_space<hbm>>
      tpu.wait_indirect_dma semaphore(%arg7 : memref<!tpu.dma_semaphore, #tpu.memory_space<semaphore_mem>>) src(%dma_wait3A_561 : memref<1048576x128xf32, #tpu.memory_space<hbm>>) dst(%dma_wait3A_555 : memref<128x128xf32, #tpu.memory_space<vmem>>)
      %mul3A_562 = arith.constant 128 : i32
      %mul3A_563 = arith.muli %add3A_550, %mul3A_562 : i32
      %add3A_564 = arith.addi %mul3A_2, %mul3A_563 : i32
      %dma_start3A_565 = arith.constant 0 : i32
      %dma_start3A_566 = arith.constant 0 : i32
      %dma_start3A_567 = arith.constant 0 : i32
      %dma_start3A_568 = tpu.memref_slice %arg6[%dma_start3A_565, %dma_start3A_566, %dma_start3A_567] : memref<5x128x128xf32, #tpu.memory_space<vmem>> -> memref<1x128x128xf32, #tpu.memory_space<vmem>>
      %dma_start3A_569 = tpu.memref_squeeze %dma_start3A_568 : memref<1x128x128xf32, #tpu.memory_space<vmem>> -> memref<128x128xf32, #tpu.memory_space<vmem>>
      %dma_start3A_570 = arith.constant 0 : i32
      %dma_start3A_571 = tpu.memref_slice %arg4[%add3A_564, %dma_start3A_570] : memref<819200x128xf32, #tpu.memory_space<hbm>> -> memref<128x128xf32, #tpu.memory_space<hbm>>
      %dma_start3A_572 = arith.constant 0 : i32
      %dma_start3A_573 = tpu.memref_slice %arg4[%add3A_564, %dma_start3A_572] : memref<819200x128xf32, #tpu.memory_space<hbm>> -> memref<128x128xf32, #tpu.memory_space<hbm>>
      %dma_start3A_574 = arith.constant 0 : i32
      %dma_start3A_575 = arith.constant 0 : i32
      %dma_start3A_576 = tpu.memref_slice %arg6[%dma_start3A_565, %dma_start3A_574, %dma_start3A_575] : memref<5x128x128xf32, #tpu.memory_space<vmem>> -> memref<1x128x128xf32, #tpu.memory_space<vmem>>
      %dma_start3A_577 = tpu.memref_squeeze %dma_start3A_576 : memref<1x128x128xf32, #tpu.memory_space<vmem>> -> memref<128x128xf32, #tpu.memory_space<vmem>>
      tpu.enqueue_dma source(%dma_start3A_577 : memref<128x128xf32, #tpu.memory_space<vmem>>) target(%dma_start3A_573 : memref<128x128xf32, #tpu.memory_space<hbm>>) target_semaphore(%arg12 : memref<!tpu.dma_semaphore, #tpu.memory_space<semaphore_mem>>)
      %sub3A = arith.constant 1 : i32
      %sub3A_578 = arith.subi %add3A_550, %sub3A : i32
      %mul3A_579 = arith.constant 128 : i32
      %mul3A_580 = arith.muli %sub3A_578, %mul3A_579 : i32
      %add3A_581 = arith.addi %mul3A_2, %mul3A_580 : i32
      %dma_wait3A_582 = arith.constant 4 : i32
      %dma_wait3A_583 = arith.constant 0 : i32
      %dma_wait3A_584 = arith.constant 0 : i32
      %dma_wait3A_585 = tpu.memref_slice %arg6[%dma_wait3A_582, %dma_wait3A_583, %dma_wait3A_584] : memref<5x128x128xf32, #tpu.memory_space<vmem>> -> memref<1x128x128xf32, #tpu.memory_space<vmem>>
      %dma_wait3A_586 = tpu.memref_squeeze %dma_wait3A_585 : memref<1x128x128xf32, #tpu.memory_space<vmem>> -> memref<128x128xf32, #tpu.memory_space<vmem>>
      %dma_wait3A_587 = arith.constant 0 : i32
      %dma_wait3A_588 = tpu.memref_slice %arg4[%add3A_581, %dma_wait3A_587] : memref<819200x128xf32, #tpu.memory_space<hbm>> -> memref<128x128xf32, #tpu.memory_space<hbm>>
      %dma_wait3A_589 = arith.constant 0 : i32
      %dma_wait3A_590 = tpu.memref_slice %arg4[%add3A_581, %dma_wait3A_589] : memref<819200x128xf32, #tpu.memory_space<hbm>> -> memref<128x128xf32, #tpu.memory_space<hbm>>
      %dma_wait3A_591 = arith.constant 0 : i32
      %dma_wait3A_592 = arith.constant 0 : i32
      %dma_wait3A_593 = tpu.memref_slice %arg6[%dma_wait3A_582, %dma_wait3A_591, %dma_wait3A_592] : memref<5x128x128xf32, #tpu.memory_space<vmem>> -> memref<1x128x128xf32, #tpu.memory_space<vmem>>
      %dma_wait3A_594 = tpu.memref_squeeze %dma_wait3A_593 : memref<1x128x128xf32, #tpu.memory_space<vmem>> -> memref<128x128xf32, #tpu.memory_space<vmem>>
      tpu.wait_dma2 semaphore(%arg16 : memref<!tpu.dma_semaphore, #tpu.memory_space<semaphore_mem>>) src(%dma_wait3A_594 : memref<128x128xf32, #tpu.memory_space<vmem>>) dst(%dma_wait3A_590 : memref<128x128xf32, #tpu.memory_space<hbm>>)
      %add3A_595 = arith.constant 5 : i32
      %add3A_596 = arith.addi %add3A_550, %add3A_595 : i32
      %sub3A_597 = arith.constant 1 : i32
      %sub3A_598 = arith.subi %add3A_596, %sub3A_597 : i32
      %dma_start3A_599 = arith.constant 4 : i32
      %dma_start3A_600 = arith.constant 0 : i32
      %dma_start3A_601 = arith.constant 0 : i32
      %dma_start3A_602 = tpu.memref_slice %arg6[%dma_start3A_599, %dma_start3A_600, %dma_start3A_601] : memref<5x128x128xf32, #tpu.memory_space<vmem>> -> memref<1x128x128xf32, #tpu.memory_space<vmem>>
      %dma_start3A_603 = tpu.memref_squeeze %dma_start3A_602 : memref<1x128x128xf32, #tpu.memory_space<vmem>> -> memref<128x128xf32, #tpu.memory_space<vmem>>
      %dma_start3A_604 = arith.constant 0 : i32
      %dma_start3A_605 = tpu.memref_slice %arg5[%sub3A_598, %dma_start3A_604] : memref<200x128xi32, #tpu.memory_space<vmem>> -> memref<1x128xi32, #tpu.memory_space<vmem>>
      %dma_start3A_606 = tpu.memref_squeeze %dma_start3A_605 : memref<1x128xi32, #tpu.memory_space<vmem>> -> memref<128xi32, #tpu.memory_space<vmem>>
      %dma_start3A_607 = arith.constant 0 : i32
      %dma_start3A_608 = arith.constant 0 : i32
      %dma_start3A_609 = tpu.memref_slice %arg3[%dma_start3A_607, %dma_start3A_608] : memref<1048576x128xf32, #tpu.memory_space<hbm>> -> memref<1048576x128xf32, #tpu.memory_space<hbm>>
      tpu.enqueue_indirect_dma source(%dma_start3A_609 : memref<1048576x128xf32, #tpu.memory_space<hbm>>) target(%dma_start3A_603 : memref<128x128xf32, #tpu.memory_space<vmem>>) offsets(%dma_start3A_606 : memref<128xi32, #tpu.memory_space<vmem>>) semaphore(%arg11 : memref<!tpu.dma_semaphore, #tpu.memory_space<semaphore_mem>>)
      %mul3A_610 = arith.constant 5 : i32
      %mul3A_611 = arith.muli %scan3A_546, %mul3A_610 : i32
      %add3A_612 = arith.constant 1 : i32
      %add3A_613 = arith.addi %mul3A_611, %add3A_612 : i32
      %dma_wait3A_614 = arith.constant 1 : i32
      %dma_wait3A_615 = arith.constant 0 : i32
      %dma_wait3A_616 = arith.constant 0 : i32
      %dma_wait3A_617 = tpu.memref_slice %arg6[%dma_wait3A_614, %dma_wait3A_615, %dma_wait3A_616] : memref<5x128x128xf32, #tpu.memory_space<vmem>> -> memref<1x128x128xf32, #tpu.memory_space<vmem>>
      %dma_wait3A_618 = tpu.memref_squeeze %dma_wait3A_617 : memref<1x128x128xf32, #tpu.memory_space<vmem>> -> memref<128x128xf32, #tpu.memory_space<vmem>>
      %dma_wait3A_619 = arith.constant 0 : i32
      %dma_wait3A_620 = tpu.memref_slice %arg5[%add3A_613, %dma_wait3A_619] : memref<200x128xi32, #tpu.memory_space<vmem>> -> memref<1x128xi32, #tpu.memory_space<vmem>>
      %dma_wait3A_621 = tpu.memref_squeeze %dma_wait3A_620 : memref<1x128xi32, #tpu.memory_space<vmem>> -> memref<128xi32, #tpu.memory_space<vmem>>
      %dma_wait3A_622 = arith.constant 0 : i32
      %dma_wait3A_623 = arith.constant 0 : i32
      %dma_wait3A_624 = tpu.memref_slice %arg3[%dma_wait3A_622, %dma_wait3A_623] : memref<1048576x128xf32, #tpu.memory_space<hbm>> -> memref<1048576x128xf32, #tpu.memory_space<hbm>>
      tpu.wait_indirect_dma semaphore(%arg8 : memref<!tpu.dma_semaphore, #tpu.memory_space<semaphore_mem>>) src(%dma_wait3A_624 : memref<1048576x128xf32, #tpu.memory_space<hbm>>) dst(%dma_wait3A_618 : memref<128x128xf32, #tpu.memory_space<vmem>>)
      %mul3A_625 = arith.constant 128 : i32
      %mul3A_626 = arith.muli %add3A_613, %mul3A_625 : i32
      %add3A_627 = arith.addi %mul3A_2, %mul3A_626 : i32
      %dma_start3A_628 = arith.constant 1 : i32
      %dma_start3A_629 = arith.constant 0 : i32
      %dma_start3A_630 = arith.constant 0 : i32
      %dma_start3A_631 = tpu.memref_slice %arg6[%dma_start3A_628, %dma_start3A_629, %dma_start3A_630] : memref<5x128x128xf32, #tpu.memory_space<vmem>> -> memref<1x128x128xf32, #tpu.memory_space<vmem>>
      %dma_start3A_632 = tpu.memref_squeeze %dma_start3A_631 : memref<1x128x128xf32, #tpu.memory_space<vmem>> -> memref<128x128xf32, #tpu.memory_space<vmem>>
      %dma_start3A_633 = arith.constant 0 : i32
      %dma_start3A_634 = tpu.memref_slice %arg4[%add3A_627, %dma_start3A_633] : memref<819200x128xf32, #tpu.memory_space<hbm>> -> memref<128x128xf32, #tpu.memory_space<hbm>>
      %dma_start3A_635 = arith.constant 0 : i32
      %dma_start3A_636 = tpu.memref_slice %arg4[%add3A_627, %dma_start3A_635] : memref<819200x128xf32, #tpu.memory_space<hbm>> -> memref<128x128xf32, #tpu.memory_space<hbm>>
      %dma_start3A_637 = arith.constant 0 : i32
      %dma_start3A_638 = arith.constant 0 : i32
      %dma_start3A_639 = tpu.memref_slice %arg6[%dma_start3A_628, %dma_start3A_637, %dma_start3A_638] : memref<5x128x128xf32, #tpu.memory_space<vmem>> -> memref<1x128x128xf32, #tpu.memory_space<vmem>>
      %dma_start3A_640 = tpu.memref_squeeze %dma_start3A_639 : memref<1x128x128xf32, #tpu.memory_space<vmem>> -> memref<128x128xf32, #tpu.memory_space<vmem>>
      tpu.enqueue_dma source(%dma_start3A_640 : memref<128x128xf32, #tpu.memory_space<vmem>>) target(%dma_start3A_636 : memref<128x128xf32, #tpu.memory_space<hbm>>) target_semaphore(%arg13 : memref<!tpu.dma_semaphore, #tpu.memory_space<semaphore_mem>>)
      %sub3A_641 = arith.constant 1 : i32
      %sub3A_642 = arith.subi %add3A_613, %sub3A_641 : i32
      %mul3A_643 = arith.constant 128 : i32
      %mul3A_644 = arith.muli %sub3A_642, %mul3A_643 : i32
      %add3A_645 = arith.addi %mul3A_2, %mul3A_644 : i32
      %dma_wait3A_646 = arith.constant 0 : i32
      %dma_wait3A_647 = arith.constant 0 : i32
      %dma_wait3A_648 = arith.constant 0 : i32
      %dma_wait3A_649 = tpu.memref_slice %arg6[%dma_wait3A_646, %dma_wait3A_647, %dma_wait3A_648] : memref<5x128x128xf32, #tpu.memory_space<vmem>> -> memref<1x128x128xf32, #tpu.memory_space<vmem>>
      %dma_wait3A_650 = tpu.memref_squeeze %dma_wait3A_649 : memref<1x128x128xf32, #tpu.memory_space<vmem>> -> memref<128x128xf32, #tpu.memory_space<vmem>>
      %dma_wait3A_651 = arith.constant 0 : i32
      %dma_wait3A_652 = tpu.memref_slice %arg4[%add3A_645, %dma_wait3A_651] : memref<819200x128xf32, #tpu.memory_space<hbm>> -> memref<128x128xf32, #tpu.memory_space<hbm>>
      %dma_wait3A_653 = arith.constant 0 : i32
      %dma_wait3A_654 = tpu.memref_slice %arg4[%add3A_645, %dma_wait3A_653] : memref<819200x128xf32, #tpu.memory_space<hbm>> -> memref<128x128xf32, #tpu.memory_space<hbm>>
      %dma_wait3A_655 = arith.constant 0 : i32
      %dma_wait3A_656 = arith.constant 0 : i32
      %dma_wait3A_657 = tpu.memref_slice %arg6[%dma_wait3A_646, %dma_wait3A_655, %dma_wait3A_656] : memref<5x128x128xf32, #tpu.memory_space<vmem>> -> memref<1x128x128xf32, #tpu.memory_space<vmem>>
      %dma_wait3A_658 = tpu.memref_squeeze %dma_wait3A_657 : memref<1x128x128xf32, #tpu.memory_space<vmem>> -> memref<128x128xf32, #tpu.memory_space<vmem>>
      tpu.wait_dma2 semaphore(%arg12 : memref<!tpu.dma_semaphore, #tpu.memory_space<semaphore_mem>>) src(%dma_wait3A_658 : memref<128x128xf32, #tpu.memory_space<vmem>>) dst(%dma_wait3A_654 : memref<128x128xf32, #tpu.memory_space<hbm>>)
      %add3A_659 = arith.constant 5 : i32
      %add3A_660 = arith.addi %add3A_613, %add3A_659 : i32
      %sub3A_661 = arith.constant 1 : i32
      %sub3A_662 = arith.subi %add3A_660, %sub3A_661 : i32
      %dma_start3A_663 = arith.constant 0 : i32
      %dma_start3A_664 = arith.constant 0 : i32
      %dma_start3A_665 = arith.constant 0 : i32
      %dma_start3A_666 = tpu.memref_slice %arg6[%dma_start3A_663, %dma_start3A_664, %dma_start3A_665] : memref<5x128x128xf32, #tpu.memory_space<vmem>> -> memref<1x128x128xf32, #tpu.memory_space<vmem>>
      %dma_start3A_667 = tpu.memref_squeeze %dma_start3A_666 : memref<1x128x128xf32, #tpu.memory_space<vmem>> -> memref<128x128xf32, #tpu.memory_space<vmem>>
      %dma_start3A_668 = arith.constant 0 : i32
      %dma_start3A_669 = tpu.memref_slice %arg5[%sub3A_662, %dma_start3A_668] : memref<200x128xi32, #tpu.memory_space<vmem>> -> memref<1x128xi32, #tpu.memory_space<vmem>>
      %dma_start3A_670 = tpu.memref_squeeze %dma_start3A_669 : memref<1x128xi32, #tpu.memory_space<vmem>> -> memref<128xi32, #tpu.memory_space<vmem>>
      %dma_start3A_671 = arith.constant 0 : i32
      %dma_start3A_672 = arith.constant 0 : i32
      %dma_start3A_673 = tpu.memref_slice %arg3[%dma_start3A_671, %dma_start3A_672] : memref<1048576x128xf32, #tpu.memory_space<hbm>> -> memref<1048576x128xf32, #tpu.memory_space<hbm>>
      tpu.enqueue_indirect_dma source(%dma_start3A_673 : memref<1048576x128xf32, #tpu.memory_space<hbm>>) target(%dma_start3A_667 : memref<128x128xf32, #tpu.memory_space<vmem>>) offsets(%dma_start3A_670 : memref<128xi32, #tpu.memory_space<vmem>>) semaphore(%arg7 : memref<!tpu.dma_semaphore, #tpu.memory_space<semaphore_mem>>)
      %mul3A_674 = arith.constant 5 : i32
      %mul3A_675 = arith.muli %scan3A_546, %mul3A_674 : i32
      %add3A_676 = arith.constant 2 : i32
      %add3A_677 = arith.addi %mul3A_675, %add3A_676 : i32
      %dma_wait3A_678 = arith.constant 2 : i32
      %dma_wait3A_679 = arith.constant 0 : i32
      %dma_wait3A_680 = arith.constant 0 : i32
      %dma_wait3A_681 = tpu.memref_slice %arg6[%dma_wait3A_678, %dma_wait3A_679, %dma_wait3A_680] : memref<5x128x128xf32, #tpu.memory_space<vmem>> -> memref<1x128x128xf32, #tpu.memory_space<vmem>>
      %dma_wait3A_682 = tpu.memref_squeeze %dma_wait3A_681 : memref<1x128x128xf32, #tpu.memory_space<vmem>> -> memref<128x128xf32, #tpu.memory_space<vmem>>
      %dma_wait3A_683 = arith.constant 0 : i32
      %dma_wait3A_684 = tpu.memref_slice %arg5[%add3A_677, %dma_wait3A_683] : memref<200x128xi32, #tpu.memory_space<vmem>> -> memref<1x128xi32, #tpu.memory_space<vmem>>
      %dma_wait3A_685 = tpu.memref_squeeze %dma_wait3A_684 : memref<1x128xi32, #tpu.memory_space<vmem>> -> memref<128xi32, #tpu.memory_space<vmem>>
      %dma_wait3A_686 = arith.constant 0 : i32
      %dma_wait3A_687 = arith.constant 0 : i32
      %dma_wait3A_688 = tpu.memref_slice %arg3[%dma_wait3A_686, %dma_wait3A_687] : memref<1048576x128xf32, #tpu.memory_space<hbm>> -> memref<1048576x128xf32, #tpu.memory_space<hbm>>
      tpu.wait_indirect_dma semaphore(%arg9 : memref<!tpu.dma_semaphore, #tpu.memory_space<semaphore_mem>>) src(%dma_wait3A_688 : memref<1048576x128xf32, #tpu.memory_space<hbm>>) dst(%dma_wait3A_682 : memref<128x128xf32, #tpu.memory_space<vmem>>)
      %mul3A_689 = arith.constant 128 : i32
      %mul3A_690 = arith.muli %add3A_677, %mul3A_689 : i32
      %add3A_691 = arith.addi %mul3A_2, %mul3A_690 : i32
      %dma_start3A_692 = arith.constant 2 : i32
      %dma_start3A_693 = arith.constant 0 : i32
      %dma_start3A_694 = arith.constant 0 : i32
      %dma_start3A_695 = tpu.memref_slice %arg6[%dma_start3A_692, %dma_start3A_693, %dma_start3A_694] : memref<5x128x128xf32, #tpu.memory_space<vmem>> -> memref<1x128x128xf32, #tpu.memory_space<vmem>>
      %dma_start3A_696 = tpu.memref_squeeze %dma_start3A_695 : memref<1x128x128xf32, #tpu.memory_space<vmem>> -> memref<128x128xf32, #tpu.memory_space<vmem>>
      %dma_start3A_697 = arith.constant 0 : i32
      %dma_start3A_698 = tpu.memref_slice %arg4[%add3A_691, %dma_start3A_697] : memref<819200x128xf32, #tpu.memory_space<hbm>> -> memref<128x128xf32, #tpu.memory_space<hbm>>
      %dma_start3A_699 = arith.constant 0 : i32
      %dma_start3A_700 = tpu.memref_slice %arg4[%add3A_691, %dma_start3A_699] : memref<819200x128xf32, #tpu.memory_space<hbm>> -> memref<128x128xf32, #tpu.memory_space<hbm>>
      %dma_start3A_701 = arith.constant 0 : i32
      %dma_start3A_702 = arith.constant 0 : i32
      %dma_start3A_703 = tpu.memref_slice %arg6[%dma_start3A_692, %dma_start3A_701, %dma_start3A_702] : memref<5x128x128xf32, #tpu.memory_space<vmem>> -> memref<1x128x128xf32, #tpu.memory_space<vmem>>
      %dma_start3A_704 = tpu.memref_squeeze %dma_start3A_703 : memref<1x128x128xf32, #tpu.memory_space<vmem>> -> memref<128x128xf32, #tpu.memory_space<vmem>>
      tpu.enqueue_dma source(%dma_start3A_704 : memref<128x128xf32, #tpu.memory_space<vmem>>) target(%dma_start3A_700 : memref<128x128xf32, #tpu.memory_space<hbm>>) target_semaphore(%arg14 : memref<!tpu.dma_semaphore, #tpu.memory_space<semaphore_mem>>)
      %sub3A_705 = arith.constant 1 : i32
      %sub3A_706 = arith.subi %add3A_677, %sub3A_705 : i32
      %mul3A_707 = arith.constant 128 : i32
      %mul3A_708 = arith.muli %sub3A_706, %mul3A_707 : i32
      %add3A_709 = arith.addi %mul3A_2, %mul3A_708 : i32
      %dma_wait3A_710 = arith.constant 1 : i32
      %dma_wait3A_711 = arith.constant 0 : i32
      %dma_wait3A_712 = arith.constant 0 : i32
      %dma_wait3A_713 = tpu.memref_slice %arg6[%dma_wait3A_710, %dma_wait3A_711, %dma_wait3A_712] : memref<5x128x128xf32, #tpu.memory_space<vmem>> -> memref<1x128x128xf32, #tpu.memory_space<vmem>>
      %dma_wait3A_714 = tpu.memref_squeeze %dma_wait3A_713 : memref<1x128x128xf32, #tpu.memory_space<vmem>> -> memref<128x128xf32, #tpu.memory_space<vmem>>
      %dma_wait3A_715 = arith.constant 0 : i32
      %dma_wait3A_716 = tpu.memref_slice %arg4[%add3A_709, %dma_wait3A_715] : memref<819200x128xf32, #tpu.memory_space<hbm>> -> memref<128x128xf32, #tpu.memory_space<hbm>>
      %dma_wait3A_717 = arith.constant 0 : i32
      %dma_wait3A_718 = tpu.memref_slice %arg4[%add3A_709, %dma_wait3A_717] : memref<819200x128xf32, #tpu.memory_space<hbm>> -> memref<128x128xf32, #tpu.memory_space<hbm>>
      %dma_wait3A_719 = arith.constant 0 : i32
      %dma_wait3A_720 = arith.constant 0 : i32
      %dma_wait3A_721 = tpu.memref_slice %arg6[%dma_wait3A_710, %dma_wait3A_719, %dma_wait3A_720] : memref<5x128x128xf32, #tpu.memory_space<vmem>> -> memref<1x128x128xf32, #tpu.memory_space<vmem>>
      %dma_wait3A_722 = tpu.memref_squeeze %dma_wait3A_721 : memref<1x128x128xf32, #tpu.memory_space<vmem>> -> memref<128x128xf32, #tpu.memory_space<vmem>>
      tpu.wait_dma2 semaphore(%arg13 : memref<!tpu.dma_semaphore, #tpu.memory_space<semaphore_mem>>) src(%dma_wait3A_722 : memref<128x128xf32, #tpu.memory_space<vmem>>) dst(%dma_wait3A_718 : memref<128x128xf32, #tpu.memory_space<hbm>>)
      %add3A_723 = arith.constant 5 : i32
      %add3A_724 = arith.addi %add3A_677, %add3A_723 : i32
      %sub3A_725 = arith.constant 1 : i32
      %sub3A_726 = arith.subi %add3A_724, %sub3A_725 : i32
      %dma_start3A_727 = arith.constant 1 : i32
      %dma_start3A_728 = arith.constant 0 : i32
      %dma_start3A_729 = arith.constant 0 : i32
      %dma_start3A_730 = tpu.memref_slice %arg6[%dma_start3A_727, %dma_start3A_728, %dma_start3A_729] : memref<5x128x128xf32, #tpu.memory_space<vmem>> -> memref<1x128x128xf32, #tpu.memory_space<vmem>>
      %dma_start3A_731 = tpu.memref_squeeze %dma_start3A_730 : memref<1x128x128xf32, #tpu.memory_space<vmem>> -> memref<128x128xf32, #tpu.memory_space<vmem>>
      %dma_start3A_732 = arith.constant 0 : i32
      %dma_start3A_733 = tpu.memref_slice %arg5[%sub3A_726, %dma_start3A_732] : memref<200x128xi32, #tpu.memory_space<vmem>> -> memref<1x128xi32, #tpu.memory_space<vmem>>
      %dma_start3A_734 = tpu.memref_squeeze %dma_start3A_733 : memref<1x128xi32, #tpu.memory_space<vmem>> -> memref<128xi32, #tpu.memory_space<vmem>>
      %dma_start3A_735 = arith.constant 0 : i32
      %dma_start3A_736 = arith.constant 0 : i32
      %dma_start3A_737 = tpu.memref_slice %arg3[%dma_start3A_735, %dma_start3A_736] : memref<1048576x128xf32, #tpu.memory_space<hbm>> -> memref<1048576x128xf32, #tpu.memory_space<hbm>>
      tpu.enqueue_indirect_dma source(%dma_start3A_737 : memref<1048576x128xf32, #tpu.memory_space<hbm>>) target(%dma_start3A_731 : memref<128x128xf32, #tpu.memory_space<vmem>>) offsets(%dma_start3A_734 : memref<128xi32, #tpu.memory_space<vmem>>) semaphore(%arg8 : memref<!tpu.dma_semaphore, #tpu.memory_space<semaphore_mem>>)
      %mul3A_738 = arith.constant 5 : i32
      %mul3A_739 = arith.muli %scan3A_546, %mul3A_738 : i32
      %add3A_740 = arith.constant 3 : i32
      %add3A_741 = arith.addi %mul3A_739, %add3A_740 : i32
      %dma_wait3A_742 = arith.constant 3 : i32
      %dma_wait3A_743 = arith.constant 0 : i32
      %dma_wait3A_744 = arith.constant 0 : i32
      %dma_wait3A_745 = tpu.memref_slice %arg6[%dma_wait3A_742, %dma_wait3A_743, %dma_wait3A_744] : memref<5x128x128xf32, #tpu.memory_space<vmem>> -> memref<1x128x128xf32, #tpu.memory_space<vmem>>
      %dma_wait3A_746 = tpu.memref_squeeze %dma_wait3A_745 : memref<1x128x128xf32, #tpu.memory_space<vmem>> -> memref<128x128xf32, #tpu.memory_space<vmem>>
      %dma_wait3A_747 = arith.constant 0 : i32
      %dma_wait3A_748 = tpu.memref_slice %arg5[%add3A_741, %dma_wait3A_747] : memref<200x128xi32, #tpu.memory_space<vmem>> -> memref<1x128xi32, #tpu.memory_space<vmem>>
      %dma_wait3A_749 = tpu.memref_squeeze %dma_wait3A_748 : memref<1x128xi32, #tpu.memory_space<vmem>> -> memref<128xi32, #tpu.memory_space<vmem>>
      %dma_wait3A_750 = arith.constant 0 : i32
      %dma_wait3A_751 = arith.constant 0 : i32
      %dma_wait3A_752 = tpu.memref_slice %arg3[%dma_wait3A_750, %dma_wait3A_751] : memref<1048576x128xf32, #tpu.memory_space<hbm>> -> memref<1048576x128xf32, #tpu.memory_space<hbm>>
      tpu.wait_indirect_dma semaphore(%arg10 : memref<!tpu.dma_semaphore, #tpu.memory_space<semaphore_mem>>) src(%dma_wait3A_752 : memref<1048576x128xf32, #tpu.memory_space<hbm>>) dst(%dma_wait3A_746 : memref<128x128xf32, #tpu.memory_space<vmem>>)
      %mul3A_753 = arith.constant 128 : i32
      %mul3A_754 = arith.muli %add3A_741, %mul3A_753 : i32
      %add3A_755 = arith.addi %mul3A_2, %mul3A_754 : i32
      %dma_start3A_756 = arith.constant 3 : i32
      %dma_start3A_757 = arith.constant 0 : i32
      %dma_start3A_758 = arith.constant 0 : i32
      %dma_start3A_759 = tpu.memref_slice %arg6[%dma_start3A_756, %dma_start3A_757, %dma_start3A_758] : memref<5x128x128xf32, #tpu.memory_space<vmem>> -> memref<1x128x128xf32, #tpu.memory_space<vmem>>
      %dma_start3A_760 = tpu.memref_squeeze %dma_start3A_759 : memref<1x128x128xf32, #tpu.memory_space<vmem>> -> memref<128x128xf32, #tpu.memory_space<vmem>>
      %dma_start3A_761 = arith.constant 0 : i32
      %dma_start3A_762 = tpu.memref_slice %arg4[%add3A_755, %dma_start3A_761] : memref<819200x128xf32, #tpu.memory_space<hbm>> -> memref<128x128xf32, #tpu.memory_space<hbm>>
      %dma_start3A_763 = arith.constant 0 : i32
      %dma_start3A_764 = tpu.memref_slice %arg4[%add3A_755, %dma_start3A_763] : memref<819200x128xf32, #tpu.memory_space<hbm>> -> memref<128x128xf32, #tpu.memory_space<hbm>>
      %dma_start3A_765 = arith.constant 0 : i32
      %dma_start3A_766 = arith.constant 0 : i32
      %dma_start3A_767 = tpu.memref_slice %arg6[%dma_start3A_756, %dma_start3A_765, %dma_start3A_766] : memref<5x128x128xf32, #tpu.memory_space<vmem>> -> memref<1x128x128xf32, #tpu.memory_space<vmem>>
      %dma_start3A_768 = tpu.memref_squeeze %dma_start3A_767 : memref<1x128x128xf32, #tpu.memory_space<vmem>> -> memref<128x128xf32, #tpu.memory_space<vmem>>
      tpu.enqueue_dma source(%dma_start3A_768 : memref<128x128xf32, #tpu.memory_space<vmem>>) target(%dma_start3A_764 : memref<128x128xf32, #tpu.memory_space<hbm>>) target_semaphore(%arg15 : memref<!tpu.dma_semaphore, #tpu.memory_space<semaphore_mem>>)
      %sub3A_769 = arith.constant 1 : i32
      %sub3A_770 = arith.subi %add3A_741, %sub3A_769 : i32
      %mul3A_771 = arith.constant 128 : i32
      %mul3A_772 = arith.muli %sub3A_770, %mul3A_771 : i32
      %add3A_773 = arith.addi %mul3A_2, %mul3A_772 : i32
      %dma_wait3A_774 = arith.constant 2 : i32
      %dma_wait3A_775 = arith.constant 0 : i32
      %dma_wait3A_776 = arith.constant 0 : i32
      %dma_wait3A_777 = tpu.memref_slice %arg6[%dma_wait3A_774, %dma_wait3A_775, %dma_wait3A_776] : memref<5x128x128xf32, #tpu.memory_space<vmem>> -> memref<1x128x128xf32, #tpu.memory_space<vmem>>
      %dma_wait3A_778 = tpu.memref_squeeze %dma_wait3A_777 : memref<1x128x128xf32, #tpu.memory_space<vmem>> -> memref<128x128xf32, #tpu.memory_space<vmem>>
      %dma_wait3A_779 = arith.constant 0 : i32
      %dma_wait3A_780 = tpu.memref_slice %arg4[%add3A_773, %dma_wait3A_779] : memref<819200x128xf32, #tpu.memory_space<hbm>> -> memref<128x128xf32, #tpu.memory_space<hbm>>
      %dma_wait3A_781 = arith.constant 0 : i32
      %dma_wait3A_782 = tpu.memref_slice %arg4[%add3A_773, %dma_wait3A_781] : memref<819200x128xf32, #tpu.memory_space<hbm>> -> memref<128x128xf32, #tpu.memory_space<hbm>>
      %dma_wait3A_783 = arith.constant 0 : i32
      %dma_wait3A_784 = arith.constant 0 : i32
      %dma_wait3A_785 = tpu.memref_slice %arg6[%dma_wait3A_774, %dma_wait3A_783, %dma_wait3A_784] : memref<5x128x128xf32, #tpu.memory_space<vmem>> -> memref<1x128x128xf32, #tpu.memory_space<vmem>>
      %dma_wait3A_786 = tpu.memref_squeeze %dma_wait3A_785 : memref<1x128x128xf32, #tpu.memory_space<vmem>> -> memref<128x128xf32, #tpu.memory_space<vmem>>
      tpu.wait_dma2 semaphore(%arg14 : memref<!tpu.dma_semaphore, #tpu.memory_space<semaphore_mem>>) src(%dma_wait3A_786 : memref<128x128xf32, #tpu.memory_space<vmem>>) dst(%dma_wait3A_782 : memref<128x128xf32, #tpu.memory_space<hbm>>)
      %add3A_787 = arith.constant 5 : i32
      %add3A_788 = arith.addi %add3A_741, %add3A_787 : i32
      %sub3A_789 = arith.constant 1 : i32
      %sub3A_790 = arith.subi %add3A_788, %sub3A_789 : i32
      %dma_start3A_791 = arith.constant 2 : i32
      %dma_start3A_792 = arith.constant 0 : i32
      %dma_start3A_793 = arith.constant 0 : i32
      %dma_start3A_794 = tpu.memref_slice %arg6[%dma_start3A_791, %dma_start3A_792, %dma_start3A_793] : memref<5x128x128xf32, #tpu.memory_space<vmem>> -> memref<1x128x128xf32, #tpu.memory_space<vmem>>
      %dma_start3A_795 = tpu.memref_squeeze %dma_start3A_794 : memref<1x128x128xf32, #tpu.memory_space<vmem>> -> memref<128x128xf32, #tpu.memory_space<vmem>>
      %dma_start3A_796 = arith.constant 0 : i32
      %dma_start3A_797 = tpu.memref_slice %arg5[%sub3A_790, %dma_start3A_796] : memref<200x128xi32, #tpu.memory_space<vmem>> -> memref<1x128xi32, #tpu.memory_space<vmem>>
      %dma_start3A_798 = tpu.memref_squeeze %dma_start3A_797 : memref<1x128xi32, #tpu.memory_space<vmem>> -> memref<128xi32, #tpu.memory_space<vmem>>
      %dma_start3A_799 = arith.constant 0 : i32
      %dma_start3A_800 = arith.constant 0 : i32
      %dma_start3A_801 = tpu.memref_slice %arg3[%dma_start3A_799, %dma_start3A_800] : memref<1048576x128xf32, #tpu.memory_space<hbm>> -> memref<1048576x128xf32, #tpu.memory_space<hbm>>
      tpu.enqueue_indirect_dma source(%dma_start3A_801 : memref<1048576x128xf32, #tpu.memory_space<hbm>>) target(%dma_start3A_795 : memref<128x128xf32, #tpu.memory_space<vmem>>) offsets(%dma_start3A_798 : memref<128xi32, #tpu.memory_space<vmem>>) semaphore(%arg9 : memref<!tpu.dma_semaphore, #tpu.memory_space<semaphore_mem>>)
      %mul3A_802 = arith.constant 5 : i32
      %mul3A_803 = arith.muli %scan3A_546, %mul3A_802 : i32
      %add3A_804 = arith.constant 4 : i32
      %add3A_805 = arith.addi %mul3A_803, %add3A_804 : i32
      %dma_wait3A_806 = arith.constant 4 : i32
      %dma_wait3A_807 = arith.constant 0 : i32
      %dma_wait3A_808 = arith.constant 0 : i32
      %dma_wait3A_809 = tpu.memref_slice %arg6[%dma_wait3A_806, %dma_wait3A_807, %dma_wait3A_808] : memref<5x128x128xf32, #tpu.memory_space<vmem>> -> memref<1x128x128xf32, #tpu.memory_space<vmem>>
      %dma_wait3A_810 = tpu.memref_squeeze %dma_wait3A_809 : memref<1x128x128xf32, #tpu.memory_space<vmem>> -> memref<128x128xf32, #tpu.memory_space<vmem>>
      %dma_wait3A_811 = arith.constant 0 : i32
      %dma_wait3A_812 = tpu.memref_slice %arg5[%add3A_805, %dma_wait3A_811] : memref<200x128xi32, #tpu.memory_space<vmem>> -> memref<1x128xi32, #tpu.memory_space<vmem>>
      %dma_wait3A_813 = tpu.memref_squeeze %dma_wait3A_812 : memref<1x128xi32, #tpu.memory_space<vmem>> -> memref<128xi32, #tpu.memory_space<vmem>>
      %dma_wait3A_814 = arith.constant 0 : i32
      %dma_wait3A_815 = arith.constant 0 : i32
      %dma_wait3A_816 = tpu.memref_slice %arg3[%dma_wait3A_814, %dma_wait3A_815] : memref<1048576x128xf32, #tpu.memory_space<hbm>> -> memref<1048576x128xf32, #tpu.memory_space<hbm>>
      tpu.wait_indirect_dma semaphore(%arg11 : memref<!tpu.dma_semaphore, #tpu.memory_space<semaphore_mem>>) src(%dma_wait3A_816 : memref<1048576x128xf32, #tpu.memory_space<hbm>>) dst(%dma_wait3A_810 : memref<128x128xf32, #tpu.memory_space<vmem>>)
      %mul3A_817 = arith.constant 128 : i32
      %mul3A_818 = arith.muli %add3A_805, %mul3A_817 : i32
      %add3A_819 = arith.addi %mul3A_2, %mul3A_818 : i32
      %dma_start3A_820 = arith.constant 4 : i32
      %dma_start3A_821 = arith.constant 0 : i32
      %dma_start3A_822 = arith.constant 0 : i32
      %dma_start3A_823 = tpu.memref_slice %arg6[%dma_start3A_820, %dma_start3A_821, %dma_start3A_822] : memref<5x128x128xf32, #tpu.memory_space<vmem>> -> memref<1x128x128xf32, #tpu.memory_space<vmem>>
      %dma_start3A_824 = tpu.memref_squeeze %dma_start3A_823 : memref<1x128x128xf32, #tpu.memory_space<vmem>> -> memref<128x128xf32, #tpu.memory_space<vmem>>
      %dma_start3A_825 = arith.constant 0 : i32
      %dma_start3A_826 = tpu.memref_slice %arg4[%add3A_819, %dma_start3A_825] : memref<819200x128xf32, #tpu.memory_space<hbm>> -> memref<128x128xf32, #tpu.memory_space<hbm>>
      %dma_start3A_827 = arith.constant 0 : i32
      %dma_start3A_828 = tpu.memref_slice %arg4[%add3A_819, %dma_start3A_827] : memref<819200x128xf32, #tpu.memory_space<hbm>> -> memref<128x128xf32, #tpu.memory_space<hbm>>
      %dma_start3A_829 = arith.constant 0 : i32
      %dma_start3A_830 = arith.constant 0 : i32
      %dma_start3A_831 = tpu.memref_slice %arg6[%dma_start3A_820, %dma_start3A_829, %dma_start3A_830] : memref<5x128x128xf32, #tpu.memory_space<vmem>> -> memref<1x128x128xf32, #tpu.memory_space<vmem>>
      %dma_start3A_832 = tpu.memref_squeeze %dma_start3A_831 : memref<1x128x128xf32, #tpu.memory_space<vmem>> -> memref<128x128xf32, #tpu.memory_space<vmem>>
      tpu.enqueue_dma source(%dma_start3A_832 : memref<128x128xf32, #tpu.memory_space<vmem>>) target(%dma_start3A_828 : memref<128x128xf32, #tpu.memory_space<hbm>>) target_semaphore(%arg16 : memref<!tpu.dma_semaphore, #tpu.memory_space<semaphore_mem>>)
      %sub3A_833 = arith.constant 1 : i32
      %sub3A_834 = arith.subi %add3A_805, %sub3A_833 : i32
      %mul3A_835 = arith.constant 128 : i32
      %mul3A_836 = arith.muli %sub3A_834, %mul3A_835 : i32
      %add3A_837 = arith.addi %mul3A_2, %mul3A_836 : i32
      %dma_wait3A_838 = arith.constant 3 : i32
      %dma_wait3A_839 = arith.constant 0 : i32
      %dma_wait3A_840 = arith.constant 0 : i32
      %dma_wait3A_841 = tpu.memref_slice %arg6[%dma_wait3A_838, %dma_wait3A_839, %dma_wait3A_840] : memref<5x128x128xf32, #tpu.memory_space<vmem>> -> memref<1x128x128xf32, #tpu.memory_space<vmem>>
      %dma_wait3A_842 = tpu.memref_squeeze %dma_wait3A_841 : memref<1x128x128xf32, #tpu.memory_space<vmem>> -> memref<128x128xf32, #tpu.memory_space<vmem>>
      %dma_wait3A_843 = arith.constant 0 : i32
      %dma_wait3A_844 = tpu.memref_slice %arg4[%add3A_837, %dma_wait3A_843] : memref<819200x128xf32, #tpu.memory_space<hbm>> -> memref<128x128xf32, #tpu.memory_space<hbm>>
      %dma_wait3A_845 = arith.constant 0 : i32
      %dma_wait3A_846 = tpu.memref_slice %arg4[%add3A_837, %dma_wait3A_845] : memref<819200x128xf32, #tpu.memory_space<hbm>> -> memref<128x128xf32, #tpu.memory_space<hbm>>
      %dma_wait3A_847 = arith.constant 0 : i32
      %dma_wait3A_848 = arith.constant 0 : i32
      %dma_wait3A_849 = tpu.memref_slice %arg6[%dma_wait3A_838, %dma_wait3A_847, %dma_wait3A_848] : memref<5x128x128xf32, #tpu.memory_space<vmem>> -> memref<1x128x128xf32, #tpu.memory_space<vmem>>
      %dma_wait3A_850 = tpu.memref_squeeze %dma_wait3A_849 : memref<1x128x128xf32, #tpu.memory_space<vmem>> -> memref<128x128xf32, #tpu.memory_space<vmem>>
      tpu.wait_dma2 semaphore(%arg15 : memref<!tpu.dma_semaphore, #tpu.memory_space<semaphore_mem>>) src(%dma_wait3A_850 : memref<128x128xf32, #tpu.memory_space<vmem>>) dst(%dma_wait3A_846 : memref<128x128xf32, #tpu.memory_space<hbm>>)
      %add3A_851 = arith.constant 5 : i32
      %add3A_852 = arith.addi %add3A_805, %add3A_851 : i32
      %sub3A_853 = arith.constant 1 : i32
      %sub3A_854 = arith.subi %add3A_852, %sub3A_853 : i32
      %dma_start3A_855 = arith.constant 3 : i32
      %dma_start3A_856 = arith.constant 0 : i32
      %dma_start3A_857 = arith.constant 0 : i32
      %dma_start3A_858 = tpu.memref_slice %arg6[%dma_start3A_855, %dma_start3A_856, %dma_start3A_857] : memref<5x128x128xf32, #tpu.memory_space<vmem>> -> memref<1x128x128xf32, #tpu.memory_space<vmem>>
      %dma_start3A_859 = tpu.memref_squeeze %dma_start3A_858 : memref<1x128x128xf32, #tpu.memory_space<vmem>> -> memref<128x128xf32, #tpu.memory_space<vmem>>
      %dma_start3A_860 = arith.constant 0 : i32
      %dma_start3A_861 = tpu.memref_slice %arg5[%sub3A_854, %dma_start3A_860] : memref<200x128xi32, #tpu.memory_space<vmem>> -> memref<1x128xi32, #tpu.memory_space<vmem>>
      %dma_start3A_862 = tpu.memref_squeeze %dma_start3A_861 : memref<1x128xi32, #tpu.memory_space<vmem>> -> memref<128xi32, #tpu.memory_space<vmem>>
      %dma_start3A_863 = arith.constant 0 : i32
      %dma_start3A_864 = arith.constant 0 : i32
      %dma_start3A_865 = tpu.memref_slice %arg3[%dma_start3A_863, %dma_start3A_864] : memref<1048576x128xf32, #tpu.memory_space<hbm>> -> memref<1048576x128xf32, #tpu.memory_space<hbm>>
      tpu.enqueue_indirect_dma source(%dma_start3A_865 : memref<1048576x128xf32, #tpu.memory_space<hbm>>) target(%dma_start3A_859 : memref<128x128xf32, #tpu.memory_space<vmem>>) offsets(%dma_start3A_862 : memref<128xi32, #tpu.memory_space<vmem>>) semaphore(%arg10 : memref<!tpu.dma_semaphore, #tpu.memory_space<semaphore_mem>>)
    }
    %scan3A_308 = arith.constant 38 : i32
    %dma_wait3A_309 = arith.constant 195 : i32
    %dma_wait3A_310 = arith.constant 0 : i32
    %dma_wait3A_311 = arith.constant 0 : i32
    %dma_wait3A_312 = arith.constant 0 : i32
    %dma_wait3A_313 = tpu.memref_slice %arg6[%dma_wait3A_310, %dma_wait3A_311, %dma_wait3A_312] : memref<5x128x128xf32, #tpu.memory_space<vmem>> -> memref<1x128x128xf32, #tpu.memory_space<vmem>>
    %dma_wait3A_314 = tpu.memref_squeeze %dma_wait3A_313 : memref<1x128x128xf32, #tpu.memory_space<vmem>> -> memref<128x128xf32, #tpu.memory_space<vmem>>
    %dma_wait3A_315 = arith.constant 0 : i32
    %dma_wait3A_316 = tpu.memref_slice %arg5[%dma_wait3A_309, %dma_wait3A_315] : memref<200x128xi32, #tpu.memory_space<vmem>> -> memref<1x128xi32, #tpu.memory_space<vmem>>
    %dma_wait3A_317 = tpu.memref_squeeze %dma_wait3A_316 : memref<1x128xi32, #tpu.memory_space<vmem>> -> memref<128xi32, #tpu.memory_space<vmem>>
    %dma_wait3A_318 = arith.constant 0 : i32
    %dma_wait3A_319 = arith.constant 0 : i32
    %dma_wait3A_320 = tpu.memref_slice %arg3[%dma_wait3A_318, %dma_wait3A_319] : memref<1048576x128xf32, #tpu.memory_space<hbm>> -> memref<1048576x128xf32, #tpu.memory_space<hbm>>
    tpu.wait_indirect_dma semaphore(%arg7 : memref<!tpu.dma_semaphore, #tpu.memory_space<semaphore_mem>>) src(%dma_wait3A_320 : memref<1048576x128xf32, #tpu.memory_space<hbm>>) dst(%dma_wait3A_314 : memref<128x128xf32, #tpu.memory_space<vmem>>)
    %add3A_321 = arith.constant 24960 : i32
    %add3A_322 = arith.addi %mul3A_2, %add3A_321 : i32
    %dma_start3A_323 = arith.constant 0 : i32
    %dma_start3A_324 = arith.constant 0 : i32
    %dma_start3A_325 = arith.constant 0 : i32
    %dma_start3A_326 = tpu.memref_slice %arg6[%dma_start3A_323, %dma_start3A_324, %dma_start3A_325] : memref<5x128x128xf32, #tpu.memory_space<vmem>> -> memref<1x128x128xf32, #tpu.memory_space<vmem>>
    %dma_start3A_327 = tpu.memref_squeeze %dma_start3A_326 : memref<1x128x128xf32, #tpu.memory_space<vmem>> -> memref<128x128xf32, #tpu.memory_space<vmem>>
    %dma_start3A_328 = arith.constant 0 : i32
    %dma_start3A_329 = tpu.memref_slice %arg4[%add3A_322, %dma_start3A_328] : memref<819200x128xf32, #tpu.memory_space<hbm>> -> memref<128x128xf32, #tpu.memory_space<hbm>>
    %dma_start3A_330 = arith.constant 0 : i32
    %dma_start3A_331 = tpu.memref_slice %arg4[%add3A_322, %dma_start3A_330] : memref<819200x128xf32, #tpu.memory_space<hbm>> -> memref<128x128xf32, #tpu.memory_space<hbm>>
    %dma_start3A_332 = arith.constant 0 : i32
    %dma_start3A_333 = arith.constant 0 : i32
    %dma_start3A_334 = tpu.memref_slice %arg6[%dma_start3A_323, %dma_start3A_332, %dma_start3A_333] : memref<5x128x128xf32, #tpu.memory_space<vmem>> -> memref<1x128x128xf32, #tpu.memory_space<vmem>>
    %dma_start3A_335 = tpu.memref_squeeze %dma_start3A_334 : memref<1x128x128xf32, #tpu.memory_space<vmem>> -> memref<128x128xf32, #tpu.memory_space<vmem>>
    tpu.enqueue_dma source(%dma_start3A_335 : memref<128x128xf32, #tpu.memory_space<vmem>>) target(%dma_start3A_331 : memref<128x128xf32, #tpu.memory_space<hbm>>) target_semaphore(%arg12 : memref<!tpu.dma_semaphore, #tpu.memory_space<semaphore_mem>>)
    %add3A_336 = arith.constant 24832 : i32
    %add3A_337 = arith.addi %mul3A_2, %add3A_336 : i32
    %dma_wait3A_338 = arith.constant 4 : i32
    %dma_wait3A_339 = arith.constant 0 : i32
    %dma_wait3A_340 = arith.constant 0 : i32
    %dma_wait3A_341 = tpu.memref_slice %arg6[%dma_wait3A_338, %dma_wait3A_339, %dma_wait3A_340] : memref<5x128x128xf32, #tpu.memory_space<vmem>> -> memref<1x128x128xf32, #tpu.memory_space<vmem>>
    %dma_wait3A_342 = tpu.memref_squeeze %dma_wait3A_341 : memref<1x128x128xf32, #tpu.memory_space<vmem>> -> memref<128x128xf32, #tpu.memory_space<vmem>>
    %dma_wait3A_343 = arith.constant 0 : i32
    %dma_wait3A_344 = tpu.memref_slice %arg4[%add3A_337, %dma_wait3A_343] : memref<819200x128xf32, #tpu.memory_space<hbm>> -> memref<128x128xf32, #tpu.memory_space<hbm>>
    %dma_wait3A_345 = arith.constant 0 : i32
    %dma_wait3A_346 = tpu.memref_slice %arg4[%add3A_337, %dma_wait3A_345] : memref<819200x128xf32, #tpu.memory_space<hbm>> -> memref<128x128xf32, #tpu.memory_space<hbm>>
    %dma_wait3A_347 = arith.constant 0 : i32
    %dma_wait3A_348 = arith.constant 0 : i32
    %dma_wait3A_349 = tpu.memref_slice %arg6[%dma_wait3A_338, %dma_wait3A_347, %dma_wait3A_348] : memref<5x128x128xf32, #tpu.memory_space<vmem>> -> memref<1x128x128xf32, #tpu.memory_space<vmem>>
    %dma_wait3A_350 = tpu.memref_squeeze %dma_wait3A_349 : memref<1x128x128xf32, #tpu.memory_space<vmem>> -> memref<128x128xf32, #tpu.memory_space<vmem>>
    tpu.wait_dma2 semaphore(%arg16 : memref<!tpu.dma_semaphore, #tpu.memory_space<semaphore_mem>>) src(%dma_wait3A_350 : memref<128x128xf32, #tpu.memory_space<vmem>>) dst(%dma_wait3A_346 : memref<128x128xf32, #tpu.memory_space<hbm>>)
    %dma_start3A_351 = arith.constant 199 : i32
    %dma_start3A_352 = arith.constant 4 : i32
    %dma_start3A_353 = arith.constant 0 : i32
    %dma_start3A_354 = arith.constant 0 : i32
    %dma_start3A_355 = tpu.memref_slice %arg6[%dma_start3A_352, %dma_start3A_353, %dma_start3A_354] : memref<5x128x128xf32, #tpu.memory_space<vmem>> -> memref<1x128x128xf32, #tpu.memory_space<vmem>>
    %dma_start3A_356 = tpu.memref_squeeze %dma_start3A_355 : memref<1x128x128xf32, #tpu.memory_space<vmem>> -> memref<128x128xf32, #tpu.memory_space<vmem>>
    %dma_start3A_357 = arith.constant 0 : i32
    %dma_start3A_358 = tpu.memref_slice %arg5[%dma_start3A_351, %dma_start3A_357] : memref<200x128xi32, #tpu.memory_space<vmem>> -> memref<1x128xi32, #tpu.memory_space<vmem>>
    %dma_start3A_359 = tpu.memref_squeeze %dma_start3A_358 : memref<1x128xi32, #tpu.memory_space<vmem>> -> memref<128xi32, #tpu.memory_space<vmem>>
    %dma_start3A_360 = arith.constant 0 : i32
    %dma_start3A_361 = arith.constant 0 : i32
    %dma_start3A_362 = tpu.memref_slice %arg3[%dma_start3A_360, %dma_start3A_361] : memref<1048576x128xf32, #tpu.memory_space<hbm>> -> memref<1048576x128xf32, #tpu.memory_space<hbm>>
    tpu.enqueue_indirect_dma source(%dma_start3A_362 : memref<1048576x128xf32, #tpu.memory_space<hbm>>) target(%dma_start3A_356 : memref<128x128xf32, #tpu.memory_space<vmem>>) offsets(%dma_start3A_359 : memref<128xi32, #tpu.memory_space<vmem>>) semaphore(%arg11 : memref<!tpu.dma_semaphore, #tpu.memory_space<semaphore_mem>>)
    %dma_wait3A_363 = arith.constant 196 : i32
    %dma_wait3A_364 = arith.constant 1 : i32
    %dma_wait3A_365 = arith.constant 0 : i32
    %dma_wait3A_366 = arith.constant 0 : i32
    %dma_wait3A_367 = tpu.memref_slice %arg6[%dma_wait3A_364, %dma_wait3A_365, %dma_wait3A_366] : memref<5x128x128xf32, #tpu.memory_space<vmem>> -> memref<1x128x128xf32, #tpu.memory_space<vmem>>
    %dma_wait3A_368 = tpu.memref_squeeze %dma_wait3A_367 : memref<1x128x128xf32, #tpu.memory_space<vmem>> -> memref<128x128xf32, #tpu.memory_space<vmem>>
    %dma_wait3A_369 = arith.constant 0 : i32
    %dma_wait3A_370 = tpu.memref_slice %arg5[%dma_wait3A_363, %dma_wait3A_369] : memref<200x128xi32, #tpu.memory_space<vmem>> -> memref<1x128xi32, #tpu.memory_space<vmem>>
    %dma_wait3A_371 = tpu.memref_squeeze %dma_wait3A_370 : memref<1x128xi32, #tpu.memory_space<vmem>> -> memref<128xi32, #tpu.memory_space<vmem>>
    %dma_wait3A_372 = arith.constant 0 : i32
    %dma_wait3A_373 = arith.constant 0 : i32
    %dma_wait3A_374 = tpu.memref_slice %arg3[%dma_wait3A_372, %dma_wait3A_373] : memref<1048576x128xf32, #tpu.memory_space<hbm>> -> memref<1048576x128xf32, #tpu.memory_space<hbm>>
    tpu.wait_indirect_dma semaphore(%arg8 : memref<!tpu.dma_semaphore, #tpu.memory_space<semaphore_mem>>) src(%dma_wait3A_374 : memref<1048576x128xf32, #tpu.memory_space<hbm>>) dst(%dma_wait3A_368 : memref<128x128xf32, #tpu.memory_space<vmem>>)
    %add3A_375 = arith.constant 25088 : i32
    %add3A_376 = arith.addi %mul3A_2, %add3A_375 : i32
    %dma_start3A_377 = arith.constant 1 : i32
    %dma_start3A_378 = arith.constant 0 : i32
    %dma_start3A_379 = arith.constant 0 : i32
    %dma_start3A_380 = tpu.memref_slice %arg6[%dma_start3A_377, %dma_start3A_378, %dma_start3A_379] : memref<5x128x128xf32, #tpu.memory_space<vmem>> -> memref<1x128x128xf32, #tpu.memory_space<vmem>>
    %dma_start3A_381 = tpu.memref_squeeze %dma_start3A_380 : memref<1x128x128xf32, #tpu.memory_space<vmem>> -> memref<128x128xf32, #tpu.memory_space<vmem>>
    %dma_start3A_382 = arith.constant 0 : i32
    %dma_start3A_383 = tpu.memref_slice %arg4[%add3A_376, %dma_start3A_382] : memref<819200x128xf32, #tpu.memory_space<hbm>> -> memref<128x128xf32, #tpu.memory_space<hbm>>
    %dma_start3A_384 = arith.constant 0 : i32
    %dma_start3A_385 = tpu.memref_slice %arg4[%add3A_376, %dma_start3A_384] : memref<819200x128xf32, #tpu.memory_space<hbm>> -> memref<128x128xf32, #tpu.memory_space<hbm>>
    %dma_start3A_386 = arith.constant 0 : i32
    %dma_start3A_387 = arith.constant 0 : i32
    %dma_start3A_388 = tpu.memref_slice %arg6[%dma_start3A_377, %dma_start3A_386, %dma_start3A_387] : memref<5x128x128xf32, #tpu.memory_space<vmem>> -> memref<1x128x128xf32, #tpu.memory_space<vmem>>
    %dma_start3A_389 = tpu.memref_squeeze %dma_start3A_388 : memref<1x128x128xf32, #tpu.memory_space<vmem>> -> memref<128x128xf32, #tpu.memory_space<vmem>>
    tpu.enqueue_dma source(%dma_start3A_389 : memref<128x128xf32, #tpu.memory_space<vmem>>) target(%dma_start3A_385 : memref<128x128xf32, #tpu.memory_space<hbm>>) target_semaphore(%arg13 : memref<!tpu.dma_semaphore, #tpu.memory_space<semaphore_mem>>)
    %add3A_390 = arith.constant 24960 : i32
    %add3A_391 = arith.addi %mul3A_2, %add3A_390 : i32
    %dma_wait3A_392 = arith.constant 0 : i32
    %dma_wait3A_393 = arith.constant 0 : i32
    %dma_wait3A_394 = arith.constant 0 : i32
    %dma_wait3A_395 = tpu.memref_slice %arg6[%dma_wait3A_392, %dma_wait3A_393, %dma_wait3A_394] : memref<5x128x128xf32, #tpu.memory_space<vmem>> -> memref<1x128x128xf32, #tpu.memory_space<vmem>>
    %dma_wait3A_396 = tpu.memref_squeeze %dma_wait3A_395 : memref<1x128x128xf32, #tpu.memory_space<vmem>> -> memref<128x128xf32, #tpu.memory_space<vmem>>
    %dma_wait3A_397 = arith.constant 0 : i32
    %dma_wait3A_398 = tpu.memref_slice %arg4[%add3A_391, %dma_wait3A_397] : memref<819200x128xf32, #tpu.memory_space<hbm>> -> memref<128x128xf32, #tpu.memory_space<hbm>>
    %dma_wait3A_399 = arith.constant 0 : i32
    %dma_wait3A_400 = tpu.memref_slice %arg4[%add3A_391, %dma_wait3A_399] : memref<819200x128xf32, #tpu.memory_space<hbm>> -> memref<128x128xf32, #tpu.memory_space<hbm>>
    %dma_wait3A_401 = arith.constant 0 : i32
    %dma_wait3A_402 = arith.constant 0 : i32
    %dma_wait3A_403 = tpu.memref_slice %arg6[%dma_wait3A_392, %dma_wait3A_401, %dma_wait3A_402] : memref<5x128x128xf32, #tpu.memory_space<vmem>> -> memref<1x128x128xf32, #tpu.memory_space<vmem>>
    %dma_wait3A_404 = tpu.memref_squeeze %dma_wait3A_403 : memref<1x128x128xf32, #tpu.memory_space<vmem>> -> memref<128x128xf32, #tpu.memory_space<vmem>>
    tpu.wait_dma2 semaphore(%arg12 : memref<!tpu.dma_semaphore, #tpu.memory_space<semaphore_mem>>) src(%dma_wait3A_404 : memref<128x128xf32, #tpu.memory_space<vmem>>) dst(%dma_wait3A_400 : memref<128x128xf32, #tpu.memory_space<hbm>>)
    %dma_wait3A_405 = arith.constant 197 : i32
    %dma_wait3A_406 = arith.constant 2 : i32
    %dma_wait3A_407 = arith.constant 0 : i32
    %dma_wait3A_408 = arith.constant 0 : i32
    %dma_wait3A_409 = tpu.memref_slice %arg6[%dma_wait3A_406, %dma_wait3A_407, %dma_wait3A_408] : memref<5x128x128xf32, #tpu.memory_space<vmem>> -> memref<1x128x128xf32, #tpu.memory_space<vmem>>
    %dma_wait3A_410 = tpu.memref_squeeze %dma_wait3A_409 : memref<1x128x128xf32, #tpu.memory_space<vmem>> -> memref<128x128xf32, #tpu.memory_space<vmem>>
    %dma_wait3A_411 = arith.constant 0 : i32
    %dma_wait3A_412 = tpu.memref_slice %arg5[%dma_wait3A_405, %dma_wait3A_411] : memref<200x128xi32, #tpu.memory_space<vmem>> -> memref<1x128xi32, #tpu.memory_space<vmem>>
    %dma_wait3A_413 = tpu.memref_squeeze %dma_wait3A_412 : memref<1x128xi32, #tpu.memory_space<vmem>> -> memref<128xi32, #tpu.memory_space<vmem>>
    %dma_wait3A_414 = arith.constant 0 : i32
    %dma_wait3A_415 = arith.constant 0 : i32
    %dma_wait3A_416 = tpu.memref_slice %arg3[%dma_wait3A_414, %dma_wait3A_415] : memref<1048576x128xf32, #tpu.memory_space<hbm>> -> memref<1048576x128xf32, #tpu.memory_space<hbm>>
    tpu.wait_indirect_dma semaphore(%arg9 : memref<!tpu.dma_semaphore, #tpu.memory_space<semaphore_mem>>) src(%dma_wait3A_416 : memref<1048576x128xf32, #tpu.memory_space<hbm>>) dst(%dma_wait3A_410 : memref<128x128xf32, #tpu.memory_space<vmem>>)
    %add3A_417 = arith.constant 25216 : i32
    %add3A_418 = arith.addi %mul3A_2, %add3A_417 : i32
    %dma_start3A_419 = arith.constant 2 : i32
    %dma_start3A_420 = arith.constant 0 : i32
    %dma_start3A_421 = arith.constant 0 : i32
    %dma_start3A_422 = tpu.memref_slice %arg6[%dma_start3A_419, %dma_start3A_420, %dma_start3A_421] : memref<5x128x128xf32, #tpu.memory_space<vmem>> -> memref<1x128x128xf32, #tpu.memory_space<vmem>>
    %dma_start3A_423 = tpu.memref_squeeze %dma_start3A_422 : memref<1x128x128xf32, #tpu.memory_space<vmem>> -> memref<128x128xf32, #tpu.memory_space<vmem>>
    %dma_start3A_424 = arith.constant 0 : i32
    %dma_start3A_425 = tpu.memref_slice %arg4[%add3A_418, %dma_start3A_424] : memref<819200x128xf32, #tpu.memory_space<hbm>> -> memref<128x128xf32, #tpu.memory_space<hbm>>
    %dma_start3A_426 = arith.constant 0 : i32
    %dma_start3A_427 = tpu.memref_slice %arg4[%add3A_418, %dma_start3A_426] : memref<819200x128xf32, #tpu.memory_space<hbm>> -> memref<128x128xf32, #tpu.memory_space<hbm>>
    %dma_start3A_428 = arith.constant 0 : i32
    %dma_start3A_429 = arith.constant 0 : i32
    %dma_start3A_430 = tpu.memref_slice %arg6[%dma_start3A_419, %dma_start3A_428, %dma_start3A_429] : memref<5x128x128xf32, #tpu.memory_space<vmem>> -> memref<1x128x128xf32, #tpu.memory_space<vmem>>
    %dma_start3A_431 = tpu.memref_squeeze %dma_start3A_430 : memref<1x128x128xf32, #tpu.memory_space<vmem>> -> memref<128x128xf32, #tpu.memory_space<vmem>>
    tpu.enqueue_dma source(%dma_start3A_431 : memref<128x128xf32, #tpu.memory_space<vmem>>) target(%dma_start3A_427 : memref<128x128xf32, #tpu.memory_space<hbm>>) target_semaphore(%arg14 : memref<!tpu.dma_semaphore, #tpu.memory_space<semaphore_mem>>)
    %add3A_432 = arith.constant 25088 : i32
    %add3A_433 = arith.addi %mul3A_2, %add3A_432 : i32
    %dma_wait3A_434 = arith.constant 1 : i32
    %dma_wait3A_435 = arith.constant 0 : i32
    %dma_wait3A_436 = arith.constant 0 : i32
    %dma_wait3A_437 = tpu.memref_slice %arg6[%dma_wait3A_434, %dma_wait3A_435, %dma_wait3A_436] : memref<5x128x128xf32, #tpu.memory_space<vmem>> -> memref<1x128x128xf32, #tpu.memory_space<vmem>>
    %dma_wait3A_438 = tpu.memref_squeeze %dma_wait3A_437 : memref<1x128x128xf32, #tpu.memory_space<vmem>> -> memref<128x128xf32, #tpu.memory_space<vmem>>
    %dma_wait3A_439 = arith.constant 0 : i32
    %dma_wait3A_440 = tpu.memref_slice %arg4[%add3A_433, %dma_wait3A_439] : memref<819200x128xf32, #tpu.memory_space<hbm>> -> memref<128x128xf32, #tpu.memory_space<hbm>>
    %dma_wait3A_441 = arith.constant 0 : i32
    %dma_wait3A_442 = tpu.memref_slice %arg4[%add3A_433, %dma_wait3A_441] : memref<819200x128xf32, #tpu.memory_space<hbm>> -> memref<128x128xf32, #tpu.memory_space<hbm>>
    %dma_wait3A_443 = arith.constant 0 : i32
    %dma_wait3A_444 = arith.constant 0 : i32
    %dma_wait3A_445 = tpu.memref_slice %arg6[%dma_wait3A_434, %dma_wait3A_443, %dma_wait3A_444] : memref<5x128x128xf32, #tpu.memory_space<vmem>> -> memref<1x128x128xf32, #tpu.memory_space<vmem>>
    %dma_wait3A_446 = tpu.memref_squeeze %dma_wait3A_445 : memref<1x128x128xf32, #tpu.memory_space<vmem>> -> memref<128x128xf32, #tpu.memory_space<vmem>>
    tpu.wait_dma2 semaphore(%arg13 : memref<!tpu.dma_semaphore, #tpu.memory_space<semaphore_mem>>) src(%dma_wait3A_446 : memref<128x128xf32, #tpu.memory_space<vmem>>) dst(%dma_wait3A_442 : memref<128x128xf32, #tpu.memory_space<hbm>>)
    %dma_wait3A_447 = arith.constant 198 : i32
    %dma_wait3A_448 = arith.constant 3 : i32
    %dma_wait3A_449 = arith.constant 0 : i32
    %dma_wait3A_450 = arith.constant 0 : i32
    %dma_wait3A_451 = tpu.memref_slice %arg6[%dma_wait3A_448, %dma_wait3A_449, %dma_wait3A_450] : memref<5x128x128xf32, #tpu.memory_space<vmem>> -> memref<1x128x128xf32, #tpu.memory_space<vmem>>
    %dma_wait3A_452 = tpu.memref_squeeze %dma_wait3A_451 : memref<1x128x128xf32, #tpu.memory_space<vmem>> -> memref<128x128xf32, #tpu.memory_space<vmem>>
    %dma_wait3A_453 = arith.constant 0 : i32
    %dma_wait3A_454 = tpu.memref_slice %arg5[%dma_wait3A_447, %dma_wait3A_453] : memref<200x128xi32, #tpu.memory_space<vmem>> -> memref<1x128xi32, #tpu.memory_space<vmem>>
    %dma_wait3A_455 = tpu.memref_squeeze %dma_wait3A_454 : memref<1x128xi32, #tpu.memory_space<vmem>> -> memref<128xi32, #tpu.memory_space<vmem>>
    %dma_wait3A_456 = arith.constant 0 : i32
    %dma_wait3A_457 = arith.constant 0 : i32
    %dma_wait3A_458 = tpu.memref_slice %arg3[%dma_wait3A_456, %dma_wait3A_457] : memref<1048576x128xf32, #tpu.memory_space<hbm>> -> memref<1048576x128xf32, #tpu.memory_space<hbm>>
    tpu.wait_indirect_dma semaphore(%arg10 : memref<!tpu.dma_semaphore, #tpu.memory_space<semaphore_mem>>) src(%dma_wait3A_458 : memref<1048576x128xf32, #tpu.memory_space<hbm>>) dst(%dma_wait3A_452 : memref<128x128xf32, #tpu.memory_space<vmem>>)
    %add3A_459 = arith.constant 25344 : i32
    %add3A_460 = arith.addi %mul3A_2, %add3A_459 : i32
    %dma_start3A_461 = arith.constant 3 : i32
    %dma_start3A_462 = arith.constant 0 : i32
    %dma_start3A_463 = arith.constant 0 : i32
    %dma_start3A_464 = tpu.memref_slice %arg6[%dma_start3A_461, %dma_start3A_462, %dma_start3A_463] : memref<5x128x128xf32, #tpu.memory_space<vmem>> -> memref<1x128x128xf32, #tpu.memory_space<vmem>>
    %dma_start3A_465 = tpu.memref_squeeze %dma_start3A_464 : memref<1x128x128xf32, #tpu.memory_space<vmem>> -> memref<128x128xf32, #tpu.memory_space<vmem>>
    %dma_start3A_466 = arith.constant 0 : i32
    %dma_start3A_467 = tpu.memref_slice %arg4[%add3A_460, %dma_start3A_466] : memref<819200x128xf32, #tpu.memory_space<hbm>> -> memref<128x128xf32, #tpu.memory_space<hbm>>
    %dma_start3A_468 = arith.constant 0 : i32
    %dma_start3A_469 = tpu.memref_slice %arg4[%add3A_460, %dma_start3A_468] : memref<819200x128xf32, #tpu.memory_space<hbm>> -> memref<128x128xf32, #tpu.memory_space<hbm>>
    %dma_start3A_470 = arith.constant 0 : i32
    %dma_start3A_471 = arith.constant 0 : i32
    %dma_start3A_472 = tpu.memref_slice %arg6[%dma_start3A_461, %dma_start3A_470, %dma_start3A_471] : memref<5x128x128xf32, #tpu.memory_space<vmem>> -> memref<1x128x128xf32, #tpu.memory_space<vmem>>
    %dma_start3A_473 = tpu.memref_squeeze %dma_start3A_472 : memref<1x128x128xf32, #tpu.memory_space<vmem>> -> memref<128x128xf32, #tpu.memory_space<vmem>>
    tpu.enqueue_dma source(%dma_start3A_473 : memref<128x128xf32, #tpu.memory_space<vmem>>) target(%dma_start3A_469 : memref<128x128xf32, #tpu.memory_space<hbm>>) target_semaphore(%arg15 : memref<!tpu.dma_semaphore, #tpu.memory_space<semaphore_mem>>)
    %add3A_474 = arith.constant 25216 : i32
    %add3A_475 = arith.addi %mul3A_2, %add3A_474 : i32
    %dma_wait3A_476 = arith.constant 2 : i32
    %dma_wait3A_477 = arith.constant 0 : i32
    %dma_wait3A_478 = arith.constant 0 : i32
    %dma_wait3A_479 = tpu.memref_slice %arg6[%dma_wait3A_476, %dma_wait3A_477, %dma_wait3A_478] : memref<5x128x128xf32, #tpu.memory_space<vmem>> -> memref<1x128x128xf32, #tpu.memory_space<vmem>>
    %dma_wait3A_480 = tpu.memref_squeeze %dma_wait3A_479 : memref<1x128x128xf32, #tpu.memory_space<vmem>> -> memref<128x128xf32, #tpu.memory_space<vmem>>
    %dma_wait3A_481 = arith.constant 0 : i32
    %dma_wait3A_482 = tpu.memref_slice %arg4[%add3A_475, %dma_wait3A_481] : memref<819200x128xf32, #tpu.memory_space<hbm>> -> memref<128x128xf32, #tpu.memory_space<hbm>>
    %dma_wait3A_483 = arith.constant 0 : i32
    %dma_wait3A_484 = tpu.memref_slice %arg4[%add3A_475, %dma_wait3A_483] : memref<819200x128xf32, #tpu.memory_space<hbm>> -> memref<128x128xf32, #tpu.memory_space<hbm>>
    %dma_wait3A_485 = arith.constant 0 : i32
    %dma_wait3A_486 = arith.constant 0 : i32
    %dma_wait3A_487 = tpu.memref_slice %arg6[%dma_wait3A_476, %dma_wait3A_485, %dma_wait3A_486] : memref<5x128x128xf32, #tpu.memory_space<vmem>> -> memref<1x128x128xf32, #tpu.memory_space<vmem>>
    %dma_wait3A_488 = tpu.memref_squeeze %dma_wait3A_487 : memref<1x128x128xf32, #tpu.memory_space<vmem>> -> memref<128x128xf32, #tpu.memory_space<vmem>>
    tpu.wait_dma2 semaphore(%arg14 : memref<!tpu.dma_semaphore, #tpu.memory_space<semaphore_mem>>) src(%dma_wait3A_488 : memref<128x128xf32, #tpu.memory_space<vmem>>) dst(%dma_wait3A_484 : memref<128x128xf32, #tpu.memory_space<hbm>>)
    %dma_wait3A_489 = arith.constant 199 : i32
    %dma_wait3A_490 = arith.constant 4 : i32
    %dma_wait3A_491 = arith.constant 0 : i32
    %dma_wait3A_492 = arith.constant 0 : i32
    %dma_wait3A_493 = tpu.memref_slice %arg6[%dma_wait3A_490, %dma_wait3A_491, %dma_wait3A_492] : memref<5x128x128xf32, #tpu.memory_space<vmem>> -> memref<1x128x128xf32, #tpu.memory_space<vmem>>
    %dma_wait3A_494 = tpu.memref_squeeze %dma_wait3A_493 : memref<1x128x128xf32, #tpu.memory_space<vmem>> -> memref<128x128xf32, #tpu.memory_space<vmem>>
    %dma_wait3A_495 = arith.constant 0 : i32
    %dma_wait3A_496 = tpu.memref_slice %arg5[%dma_wait3A_489, %dma_wait3A_495] : memref<200x128xi32, #tpu.memory_space<vmem>> -> memref<1x128xi32, #tpu.memory_space<vmem>>
    %dma_wait3A_497 = tpu.memref_squeeze %dma_wait3A_496 : memref<1x128xi32, #tpu.memory_space<vmem>> -> memref<128xi32, #tpu.memory_space<vmem>>
    %dma_wait3A_498 = arith.constant 0 : i32
    %dma_wait3A_499 = arith.constant 0 : i32
    %dma_wait3A_500 = tpu.memref_slice %arg3[%dma_wait3A_498, %dma_wait3A_499] : memref<1048576x128xf32, #tpu.memory_space<hbm>> -> memref<1048576x128xf32, #tpu.memory_space<hbm>>
    tpu.wait_indirect_dma semaphore(%arg11 : memref<!tpu.dma_semaphore, #tpu.memory_space<semaphore_mem>>) src(%dma_wait3A_500 : memref<1048576x128xf32, #tpu.memory_space<hbm>>) dst(%dma_wait3A_494 : memref<128x128xf32, #tpu.memory_space<vmem>>)
    %add3A_501 = arith.constant 25472 : i32
    %add3A_502 = arith.addi %mul3A_2, %add3A_501 : i32
    %dma_start3A_503 = arith.constant 4 : i32
    %dma_start3A_504 = arith.constant 0 : i32
    %dma_start3A_505 = arith.constant 0 : i32
    %dma_start3A_506 = tpu.memref_slice %arg6[%dma_start3A_503, %dma_start3A_504, %dma_start3A_505] : memref<5x128x128xf32, #tpu.memory_space<vmem>> -> memref<1x128x128xf32, #tpu.memory_space<vmem>>
    %dma_start3A_507 = tpu.memref_squeeze %dma_start3A_506 : memref<1x128x128xf32, #tpu.memory_space<vmem>> -> memref<128x128xf32, #tpu.memory_space<vmem>>
    %dma_start3A_508 = arith.constant 0 : i32
    %dma_start3A_509 = tpu.memref_slice %arg4[%add3A_502, %dma_start3A_508] : memref<819200x128xf32, #tpu.memory_space<hbm>> -> memref<128x128xf32, #tpu.memory_space<hbm>>
    %dma_start3A_510 = arith.constant 0 : i32
    %dma_start3A_511 = tpu.memref_slice %arg4[%add3A_502, %dma_start3A_510] : memref<819200x128xf32, #tpu.memory_space<hbm>> -> memref<128x128xf32, #tpu.memory_space<hbm>>
    %dma_start3A_512 = arith.constant 0 : i32
    %dma_start3A_513 = arith.constant 0 : i32
    %dma_start3A_514 = tpu.memref_slice %arg6[%dma_start3A_503, %dma_start3A_512, %dma_start3A_513] : memref<5x128x128xf32, #tpu.memory_space<vmem>> -> memref<1x128x128xf32, #tpu.memory_space<vmem>>
    %dma_start3A_515 = tpu.memref_squeeze %dma_start3A_514 : memref<1x128x128xf32, #tpu.memory_space<vmem>> -> memref<128x128xf32, #tpu.memory_space<vmem>>
    tpu.enqueue_dma source(%dma_start3A_515 : memref<128x128xf32, #tpu.memory_space<vmem>>) target(%dma_start3A_511 : memref<128x128xf32, #tpu.memory_space<hbm>>) target_semaphore(%arg16 : memref<!tpu.dma_semaphore, #tpu.memory_space<semaphore_mem>>)
    %add3A_516 = arith.constant 25344 : i32
    %add3A_517 = arith.addi %mul3A_2, %add3A_516 : i32
    %dma_wait3A_518 = arith.constant 3 : i32
    %dma_wait3A_519 = arith.constant 0 : i32
    %dma_wait3A_520 = arith.constant 0 : i32
    %dma_wait3A_521 = tpu.memref_slice %arg6[%dma_wait3A_518, %dma_wait3A_519, %dma_wait3A_520] : memref<5x128x128xf32, #tpu.memory_space<vmem>> -> memref<1x128x128xf32, #tpu.memory_space<vmem>>
    %dma_wait3A_522 = tpu.memref_squeeze %dma_wait3A_521 : memref<1x128x128xf32, #tpu.memory_space<vmem>> -> memref<128x128xf32, #tpu.memory_space<vmem>>
    %dma_wait3A_523 = arith.constant 0 : i32
    %dma_wait3A_524 = tpu.memref_slice %arg4[%add3A_517, %dma_wait3A_523] : memref<819200x128xf32, #tpu.memory_space<hbm>> -> memref<128x128xf32, #tpu.memory_space<hbm>>
    %dma_wait3A_525 = arith.constant 0 : i32
    %dma_wait3A_526 = tpu.memref_slice %arg4[%add3A_517, %dma_wait3A_525] : memref<819200x128xf32, #tpu.memory_space<hbm>> -> memref<128x128xf32, #tpu.memory_space<hbm>>
    %dma_wait3A_527 = arith.constant 0 : i32
    %dma_wait3A_528 = arith.constant 0 : i32
    %dma_wait3A_529 = tpu.memref_slice %arg6[%dma_wait3A_518, %dma_wait3A_527, %dma_wait3A_528] : memref<5x128x128xf32, #tpu.memory_space<vmem>> -> memref<1x128x128xf32, #tpu.memory_space<vmem>>
    %dma_wait3A_530 = tpu.memref_squeeze %dma_wait3A_529 : memref<1x128x128xf32, #tpu.memory_space<vmem>> -> memref<128x128xf32, #tpu.memory_space<vmem>>
    tpu.wait_dma2 semaphore(%arg15 : memref<!tpu.dma_semaphore, #tpu.memory_space<semaphore_mem>>) src(%dma_wait3A_530 : memref<128x128xf32, #tpu.memory_space<vmem>>) dst(%dma_wait3A_526 : memref<128x128xf32, #tpu.memory_space<hbm>>)
    %add3A_531 = arith.constant 25472 : i32
    %add3A_532 = arith.addi %mul3A_2, %add3A_531 : i32
    %dma_wait3A_533 = arith.constant 4 : i32
    %dma_wait3A_534 = arith.constant 0 : i32
    %dma_wait3A_535 = arith.constant 0 : i32
    %dma_wait3A_536 = tpu.memref_slice %arg6[%dma_wait3A_533, %dma_wait3A_534, %dma_wait3A_535] : memref<5x128x128xf32, #tpu.memory_space<vmem>> -> memref<1x128x128xf32, #tpu.memory_space<vmem>>
    %dma_wait3A_537 = tpu.memref_squeeze %dma_wait3A_536 : memref<1x128x128xf32, #tpu.memory_space<vmem>> -> memref<128x128xf32, #tpu.memory_space<vmem>>
    %dma_wait3A_538 = arith.constant 0 : i32
    %dma_wait3A_539 = tpu.memref_slice %arg4[%add3A_532, %dma_wait3A_538] : memref<819200x128xf32, #tpu.memory_space<hbm>> -> memref<128x128xf32, #tpu.memory_space<hbm>>
    %dma_wait3A_540 = arith.constant 0 : i32
    %dma_wait3A_541 = tpu.memref_slice %arg4[%add3A_532, %dma_wait3A_540] : memref<819200x128xf32, #tpu.memory_space<hbm>> -> memref<128x128xf32, #tpu.memory_space<hbm>>
    %dma_wait3A_542 = arith.constant 0 : i32
    %dma_wait3A_543 = arith.constant 0 : i32
    %dma_wait3A_544 = tpu.memref_slice %arg6[%dma_wait3A_533, %dma_wait3A_542, %dma_wait3A_543] : memref<5x128x128xf32, #tpu.memory_space<vmem>> -> memref<1x128x128xf32, #tpu.memory_space<vmem>>
    %dma_wait3A_545 = tpu.memref_squeeze %dma_wait3A_544 : memref<1x128x128xf32, #tpu.memory_space<vmem>> -> memref<128x128xf32, #tpu.memory_space<vmem>>
    tpu.wait_dma2 semaphore(%arg16 : memref<!tpu.dma_semaphore, #tpu.memory_space<semaphore_mem>>) src(%dma_wait3A_545 : memref<128x128xf32, #tpu.memory_space<vmem>>) dst(%dma_wait3A_541 : memref<128x128xf32, #tpu.memory_space<hbm>>)
    return
  }
}

</mosaic_0001>

<sc_bundles>
// kernel: _gather.3.cloned.1.call-start
scs
__scs_entry_jumppad:
0x0: {  	(pc) =	sbr.rel $0x88, $3  }
0x1: {  	(tag) =	ssettag $0x0;
	lr =	simm.s32 $0x1  }
0x2: {  	[smem:$0x3F9F] =	sst lr;
	_ =	strace $0xD0000000  }
0x3: {  	_ = 	snop  }
0x4: {  	_ = 	snop  }
0x5: {  	_ = 	snop  }
0x6: {  	_ = 	snop  }
0x7: {  	_ = 	snop  }
__scs_overlays_trampoline_lowered:
0x8: {  	[smem:$0x3FAE] =	sst s0  }
0x9: {  	[smem:$0x3FAF] =	sst s1  }
0xa: {  	[smem:$0x3FB0] =	sst s2  }
0xb: {  	[smem:$0x3FB1] =	sst s3  }
0xc: {  	[smem:$0x3FB2] =	sst s4  }
0xd: {  	[smem:$0x3FB3] =	sst s5  }
0xe: {  	[smem:$0x3FB4] =	sst s6  }
0xf: {  	[smem:$0x3FB5] =	sst s7  }
0x10: {  	[smem:$0x3FB6] =	sst s8  }
0x11: {  	[smem:$0x3FB7] =	sst s9;
	s0 =	simm.s32 @!p0 $0x0  }
0x12: {  	s1 =	sld [smem:$0x3F9D];
	s0 =	simm.s32 @p0 $0x1  }
0x13: {  	[smem:$0x3FB8] =	sst s0;
	s0 =	simm.s32 @!p1 $0x0  }
0x14: {  	s2 =	sld [smem:$0x3F9C];
	s0 =	simm.s32 @p1 $0x1  }
0x15: {  	[smem:$0x3FB9] =	sst s0;
	s0 =	simm.s32 @!p2 $0x0  }
0x16: {  	s3 =	sld [smem:$0x3FDB];
	s0 =	simm.s32 @p2 $0x1  }
0x17: {  	s4 =	simm.s32 $0x1BF5;
	[smem:$0x3FBB] =	sst s0  }
0x18: {  	s0 =	sld [smem:$0x3F9E];
	_ =	swait.ge [sflag:s4], $0x0  }
0x19: {  	s7 =	sld [smem:$0x3F9F]  }
0x1a: {  	s8 =	sadd.s32 $0xFFFFE003, lr  }
0x1b: {  	s9 =	sadd.s32 $0xFFFFFEF7, lr;
	s5 =	simm.s32 $0xFFFFFFFF;
	p2 =	slt.u32 s8, $0xFFFFF086  }
0x1c: {  	p1 =	slt.u32 s9, $0xF7A;
	s5 =	simm.s32 @!p2 $0x0  }
0x1d: {  	s5 =	simm.s32 @p1 $0x1;
	p0 =	seq.s32 s7, s2  }
0x1e: {  	s7 =	smul.u32 @!p0 $0xF7A, s2;
	p2 =	seq.s32 @!p0 s5, $0x0  }
0x1f: {  	s9 =	smul.u32 $0xF7A, s1;
	s8 =	simm.s32 @!p0 $0x1BF5;
	p2 =	por !p2, p0  }
0x20: {  	[sflag:s8] =	ssyncset.s32 @!p0 $0xFFFFF086;
	s6 =	sadd.s32 @!p0 s3, s7;
	s7 =	simm.s32 @!p0 $0x108  }
0x21: {  	s3 =	sadd.s32 s3, s9;
	s6 =	sadd.s32 @!p0 $0x88, s6;
	s7 =	simm.s32 @p2 $0x1082  }
0x22: {  	[simem:s7], [sflag:s8] =	dma.local @!p0 [hbm:s6], $0xF7A  }
0x23: {  	s9 =	sor.u32 $0xD0000000, s2;
	s6 =	simm.s32 $0x108;
	_ =	swait.ge @!p0 [sflag:s8], $0x0  }
0x24: {  	s3 =	sadd.s32 $0x88, s3;
	s6 =	simm.s32 @!p1 $0x1082;
	[sflag:s4] =	ssyncset.s32 $0xFFFFF086  }
0x25: {  	[simem:s6], [sflag:s4] =	dma.local [hbm:s3], $0xF7A  }
0x26: {  	[smem:$0x3F9F] =	sst s1;
	(tag) =	ssettag s2;
	_ =	strace s9  }
0x27: {  	s1 =	sld [smem:$0x3FAF]  }
0x28: {  	s2 =	sld [smem:$0x3FB0]  }
0x29: {  	s4 =	sld [smem:$0x3FB2]  }
0x2a: {  	p0 =	seq.s32 s5, $0x0;
	s5 =	sld [smem:$0x3FB3]  }
0x2b: {  	s6 =	sld [smem:$0x3FB4]  }
0x2c: {  	s7 =	sld [smem:$0x3FB5]  }
0x2d: {  	s3 =	simm.s32 $0x108;
	s8 =	sld [smem:$0x3FB6]  }
0x2e: {  	s3 =	simm.s32 @!p0 $0x1082;
	s9 =	sld [smem:$0x3FB7]  }
0x2f: {  	lr =	sadd.s32 s0, s3;
	s0 =	sld [smem:$0x3FAE]  }
0x30: {  	s3 =	sld [smem:$0x3FB1]  }
0x31: {  	[smem:$0x3FBA] =	sst s10  }
0x32: {  	s10 =	sld [smem:$0x3FB8];
	_ =	sdelay $0x3  }
0x33: {  	p0 =	seq.s32 s10, $0x1;
	s10 =	sld [smem:$0x3FBA];
	_ =	sdelay $0x3  }
0x34: {  	[smem:$0x3FBA] =	sst s10  }
0x35: {  	s10 =	sld [smem:$0x3FB9];
	_ =	sdelay $0x3  }
0x36: {  	p1 =	seq.s32 s10, $0x1;
	s10 =	sld [smem:$0x3FBA];
	_ =	sdelay $0x3  }
0x37: {  	[smem:$0x3FBA] =	sst s10  }
0x38: {  	s10 =	sld [smem:$0x3FBB]  }
0x39: {  	_ = 	snop;
	(pc) =	sbr.ind lr, $3  }
0x3a: {  	_ = 	snop  }
0x3b: {  	_ = 	snop  }
0x3c: {  	p2 =	seq.s32 s10, $0x1;
	s10 =	sld [smem:$0x3FBA]  }
0x3d: {  	_ =	shalt  }
0x3e: {  	_ =	shalt  }
0x3f: {  	_ =	shalt  }
0x40: {  	_ =	shalt  }
0x41: {  	_ =	shalt  }
0x42: {  	_ =	shalt  }
0x43: {  	_ =	shalt  }
0x44: {  	_ =	shalt  }
0x45: {  	_ =	shalt  }
0x46: {  	_ =	shalt  }
0x47: {  	_ =	shalt  }
0x48: {  	_ =	shalt  }
0x49: {  	_ =	shalt  }
0x4a: {  	_ =	shalt  }
0x4b: {  	_ =	shalt  }
0x4c: {  	_ =	shalt  }
0x4d: {  	_ =	shalt  }
0x4e: {  	_ =	shalt  }
0x4f: {  	_ =	shalt  }
0x50: {  	_ =	shalt  }
0x51: {  	_ =	shalt  }
0x52: {  	_ =	shalt  }
0x53: {  	_ =	shalt  }
0x54: {  	_ =	shalt  }
0x55: {  	_ =	shalt  }
0x56: {  	_ =	shalt  }
0x57: {  	_ =	shalt  }
0x58: {  	_ =	shalt  }
0x59: {  	_ =	shalt  }
0x5a: {  	_ =	shalt  }
0x5b: {  	_ =	shalt  }
0x5c: {  	_ =	shalt  }
0x5d: {  	_ =	shalt  }
0x5e: {  	_ =	shalt  }
0x5f: {  	_ =	shalt  }
0x60: {  	_ =	shalt  }
0x61: {  	_ =	shalt  }
0x62: {  	_ =	shalt  }
0x63: {  	_ =	shalt  }
0x64: {  	_ =	shalt  }
0x65: {  	_ =	shalt  }
0x66: {  	_ =	shalt  }
0x67: {  	_ =	shalt  }
0x68: {  	_ =	shalt  }
0x69: {  	_ =	shalt  }
0x6a: {  	_ =	shalt  }
0x6b: {  	_ =	shalt  }
0x6c: {  	_ =	shalt  }
0x6d: {  	_ =	shalt  }
0x6e: {  	_ =	shalt  }
0x6f: {  	_ =	shalt  }
0x70: {  	_ =	shalt  }
0x71: {  	_ =	shalt  }
0x72: {  	_ =	shalt  }
0x73: {  	_ =	shalt  }
0x74: {  	_ =	shalt  }
0x75: {  	_ =	shalt  }
0x76: {  	_ =	shalt  }
0x77: {  	_ =	shalt  }
0x78: {  	_ =	shalt  }
0x79: {  	_ =	shalt  }
0x7a: {  	_ =	shalt  }
0x7b: {  	_ =	shalt  }
0x7c: {  	_ =	shalt  }
0x7d: {  	_ =	shalt  }
0x7e: {  	_ =	shalt  }
0x7f: {  	_ =	shalt  }
0x80: {  	_ =	shalt  }
0x81: {  	_ =	shalt  }
0x82: {  	_ =	shalt  }
0x83: {  	_ =	shalt  }
0x84: {  	_ =	shalt  }
0x85: {  	_ =	shalt  }
0x86: {  	_ =	shalt  }
0x87: {  	_ =	shalt  }
.Lfunc_end0:
.L_simem_size_0:
called_computation_lowered:
.L_overlay_start_0:
0x88: {  	s2 =	sld [smem:$0x3FD9]  }
0x89: {  	s3 =	sld [smem:$0x3FFE];
	_ =	sdelay $0x1  }
0x8a: {  	s1 =	srdreg.scid  }
0x8b: {  	s0 =	sand.u32 $0x1, s1  }
0x8c: {  	s18 =	sshll.u32 s0, $0xA;
	s2 =	sadd.s32 s3, s2  }
0x8d: {  	s2 =	sadd.s32 s2, s18  }
0x8e: {  	[smem:$0x3FC6] =	sst s2  }
0x8f: {  	_ = 	snop  }
0x90: {  	s2 =	sld [smem:$0x3FC9]  }
0x91: {  	s19 =	sld [smem:$0x3FC8]  }
0x92: {  	s4 =	sld [smem:$0x3FD0];
	(tm) =	ssettm $0x1  }
0x93: {  	s5 =	sld [smem:$0x3FFB];
	_ =	sdelay $0x3  }
0x94: {  	_ =	strace s5  }
0x95: {  	s5 =	sld [smem:$0x3FFC];
	_ =	sdelay $0x3  }
0x96: {  	_ =	strace s5  }
0x97: {  	s5 =	sld [smem:$0x3FFD];
	_ =	sdelay $0x3  }
0x98: {  	_ =	strace s5  }
0x99: {  	_ =	strace $0x8FFFFFFF  }
0x9a: {  	s20 =	sld [smem:$0x3FDB];
	_ =	sdelay $0x1  }
0x9b: {  	s6 =	simm.s32 $_scs_section_size  }
0x9c: {  	s7 =	simm.s32 $_size__tile_overlayer_lowered;
	s8 =	simm.s32 $_tile_overlayer_lowered  }
0x9d: {  	s23 =	simm.s32 $0x1BFF;
	s22 =	sshll.u32 s8, $0x1;
	s5 =	sadd.s32 s6, s20  }
0x9e: {  	s9 =	simm.s32 $0x0;
	s21 =	sshll.u32 s7, $0x1;
	s7 =	sadd.s32 s22, s5  }
0x9f: {  	[timem:s9], [sflag:s23] =	dma.local [hbm:s7], s21  }
0xa0: {  	_ =	swait.ge [sflag:s23], s21  }
0xa1: {  	s6 =	ssub.s32 $0x0, s21;
	[sflag:s23] =	ssyncset.done $0x0  }
0xa2: {  	[sflag:s23] =	ssyncadd.s32 s6;
	_ =	sdelay $0x1  }
0xa3: {  	s24 =	simm.s32 $0x1B8B  }
0xa4: {  	_ =	swait.ge [sflag:s24], $0x1  }
0xa5: {  	[sflag:s24] =	ssyncset.done $0x0  }
0xa6: {  	s25 =	simm.s32 $0x1B8E;
	[sflag:s24] =	ssyncadd.s32 $0xFFFFFFFF  }
0xa7: {  	s26 =	simm.s32 $execute0_lowered;
	[smem:$0x3FD2] =	sst s25  }
0xa8: {  	s6 =	sshll.u32 s26, $0x1;
	_ =	strace $0x80000046;
	[dreg:$0x1] =	wrdreg $0xFFFFFFFF  }
0xa9: {  	s28 =	simm.s32 $_size_execute0_lowered;
	s5 =	sadd.s32 s5, s6;
	[dreg:$0x0] =	wrdreg $0x0  }
0xaa: {  	s6 =	sshll.u32 s28, $0x1;
	[dreg:$0x2] =	wrdreg s5  }
0xab: {  	[dreg:$0x3] =	wrdreg s6  }
0xac: {  	[dreg:$0x4] =	wrdreg $0xC0  }
0xad: {  	_ =	task [dreg:s9], $0x5FFFF  }
0xae: {  	[dreg:$0x1] =	wrdreg $0xFFFFFFFF  }
0xaf: {  	[dreg:$0x0] =	wrdreg $0x60  }
0xb0: {  	[dreg:$0x2] =	wrdreg s2  }
0xb1: {  	[dreg:$0x3] =	wrdreg s19  }
0xb2: {  	[dreg:$0x4] =	wrdreg s4  }
0xb3: {  	[dreg:$0x5] =	wrdreg $0x9  }
0xb4: {  	_ =	task.clear_ibuf [dreg:s9], $0x6FFFF;
	_ =	strace $0x90000046  }
0xb5: {  	s29 =	simm.s32 $0x9;
	_ =	strace $0x80000048  }
0xb6: {  	_ =	swait.ge [sflag:s29], $0x1  }
0xb7: {  	[sflag:s29] =	ssyncadd.s32 $0xFFFFFFFF  }
0xb8: {  	_ =	strace $0x90000048  }
0xb9: {  	_ =	sfence  }
0xba: {  	s30 =	sld [smem:$0x0];
	_ =	sdelay $0x2  }
0xbb: {  	s31 =	sshll.u32 s1, $0xD;
	s1 =	sshrl.u32 s1, $0x2  }
0xbc: {  	s3 =	sand.u32 $0x4000, s31;
	s1 =	sadd.s32 s1, s30  }
0xbd: {  	s0 =	sor.u32 s3, s0;
	s1 =	sshll.u32 s1, $0x11  }
0xbe: {  	s0 =	sor.u32 s1, s0  }
0xbf: {  	s0 =	sadd.s32 $0x8F2B, s0  }
0xc0: {  	[sflag:s0] =	ssyncadd.remote.s32 $0x1  }
0xc1: {  	_ =	sfence.sel $0xFFFF  }
0xc2: {  	[dreg:$0x0] =	wrdreg $0xFFFFFFFF;
	(pc) =	sbr.abs _section_cstart, $3  }
0xc3: {  	[dreg:$0x1] =	wrdreg $0xFFFFFFFF  }
0xc4: {  	_ =	task.clear_ibuf [dreg:s9], $0x2FFFF;
	_ =	strace $0x9FFFFFFF  }
0xc5: {  	(tm) =	ssettm $0x7FFFFFFF  }
tec
execute0_lowered:
.L_overlay_start_1:
0x0: {  	(tag) =	ssettag $0x1  }
0x1: {  	s0 =	rddreg [dreg:$0x0];
	s1 =	srdreg.scid  }
0x2: {  	s11 =	stileid.u32;
	s2 =	rddreg [dreg:$0x1]  }
0x3: {  	s5 =	rddreg [dreg:$0x2];
	s17 =	simm.s32 $0xB;
	s18 =	simm.s32 $0x80  }
0x4: {  	s28 =	simm.s32 $0x16400;
	s1 =	sand.u32 $0x1, s1;
	s3 =	sshll.u32 s11, $0x1  }
0x5: {  	s29 =	simm.s32 $0x2;
	s24 =	smul.u32 $0xC8000, s11;
	s6 =	sor.u32 s1, s3  }
0x6: {  	s30 =	simm.s32 $0x6;
	s31 =	simm.s32 $0x9;
	s4 =	smul.u32 $0x6400, s6  }
0x7: {  	s3 =	simm.s32 $0x0;
	s7 =	ssub.s32 $0x2, s1;
	s8 =	smul.u32 $0x64000, s6  }
0x8: {  	s1 =	smul.u32 $0x64000, s1;
	[smem:$0x7FF] =	sst s3;
	s10 =	sshrl.u32 s4, $0x3  }
0x9: {  	s9 =	sshrl.u32 s7, $0x1;
	s4 =	sadd.s32 s5, s8;
	s0 =	sadd.s32 s0, s10  }
0xa: {  	_ =	strace $0x80000047;
	s19 =	sadd.s32 $0x800, s4;
	[dreg:$0x4] =	wrdreg s0  }
0xb: {  	s6 =	smul.u32 $0x320000, s6;
	s20 =	sadd.s32 $0x1000, s4;
	[dreg:$0x5] =	wrdreg s19  }
0xc: {  	s7 =	ssub.s32 s7, s9;
	s21 =	sadd.s32 $0x1800, s4;
	[dreg:$0x6] =	wrdreg s20  }
0xd: {  	s22 =	sshrl.u32 s6, $0x3;
	s23 =	sadd.s32 $0x2000, s4;
	[dreg:$0x7] =	wrdreg s21  }
0xe: {  	s15 =	smax.u32 s7, $0x1;
	s6 =	simm.s32 $0x0;
	[dreg:$0x8] =	wrdreg s23  }
0xf: {  	s0 =	sadd.s32 s5, s22;
	s5 =	sadd.s32 s24, s5;
	s19 =	simm.s32 $0x6400  }
0x10: {  	s20 =	simm.s32 $0xA400;
	s22 =	simm.s32 $0xE400;
	s24 =	simm.s32 $0x12400  }
0x11: {  	s23 =	simm.s32 $0x4;
	s21 =	simm.s32 $0x5;
	s25 =	sadd.s32 $0x61800, s0  }
0x12: {  	s11 =	sadd.s32 $0x62000, s0;
	s12 =	sadd.s32 $0x62800, s0;
	s13 =	sadd.s32 $0x63000, s0  }
0x13: {  	s14 =	sadd.s32 $0x63800, s0;
	s26 =	sadd.s32 s1, s5;
	s1 =	simm.s32 $0x3  }
0x14: {  	s0 =	simm.s32 $0x7;
	s5 =	simm.s32 $0xA;
	[dreg:$0x9] =	wrdreg s25  }
0x15: {  	s16 =	sadd.s32 $0x4800, s26;
	s25 =	simm.s32 $0x1;
	s26 =	simm.s32 $0x8  }
.LBB2_1:
0x16: {  	s7 =	rddreg [dreg:$0x4]  }
0x17: {  	[tilespmem:s3], [sflag:$0xB] =	stream.linear.gather [hbm4b:s7+s3], $0x6400, $0x38;
	[tilespmem:$0x1A400] =	vst v63  }
0x18: {  	_ =	swait.ge [sflag:s17], $0x6400  }
0x19: {  	[sflag:s17] =	ssyncset.done $0x0  }
0x1a: {  	[sflag:s17] =	ssyncadd.s32 $0xFFFF9C00  }
0x1b: {  	[tilespmem:s19], [sflag:$0x1] =	stream.indirect.gather [hbm4b:s2+s18], $0x80, s3, s18, $0xb8;
	[tilespmem:$0x1A400] =	vst v63  }
0x1c: {  	_ = 	snop  }
0x1d: {  	[tilespmem:s20], [sflag:$0x2] =	stream.indirect.gather [hbm4b:s2+s18], $0x80, s18, s18, $0xb8;
	[tilespmem:$0x1A400] =	vst v63  }
0x1e: {  	s10 =	simm.s32 $0x100  }
0x1f: {  	[tilespmem:s22], [sflag:$0x3] =	stream.indirect.gather [hbm4b:s2+s18], $0x80, s10, s18, $0xb8;
	[tilespmem:$0x1A400] =	vst v63  }
0x20: {  	s8 =	simm.s32 $0x180  }
0x21: {  	[tilespmem:s24], [sflag:$0x4] =	stream.indirect.gather [hbm4b:s2+s18], $0x80, s8, s18, $0xb8;
	[tilespmem:$0x1A400] =	vst v63  }
0x22: {  	_ =	swait.ge [sflag:s25], $0x4000  }
0x23: {  	[sflag:s25] =	ssyncset.done $0x0  }
0x24: {  	[sflag:s25] =	ssyncadd.s32 $0xFFFFC000  }
0x25: {  	[hbm4b:s4+s3] =	stream.linear.scatter [tilespmem:s19], [sflag:$0x6], $0x4000, $0x38;
	[tilespmem:$0x1A400] =	vst v63  }
0x26: {  	s9 =	simm.s32 $0x200  }
0x27: {  	[tilespmem:s28], [sflag:$0x5] =	stream.indirect.gather [hbm4b:s2+s18], $0x80, s9, s18, $0xb8;
	[tilespmem:$0x1A400] =	vst v63  }
0x28: {  	_ =	swait.ge [sflag:s29], $0x4000  }
0x29: {  	[sflag:s29] =	ssyncset.done $0x0  }
0x2a: {  	s10 =	rddreg [dreg:$0x5];
	[sflag:s29] =	ssyncadd.s32 $0xFFFFC000  }
0x2b: {  	[hbm4b:s10+s3] =	stream.linear.scatter [tilespmem:s20], [sflag:$0x7], $0x4000, $0x38;
	[tilespmem:$0x1A400] =	vst v63  }
0x2c: {  	_ =	swait.ge [sflag:s30], $0x4000  }
0x2d: {  	[sflag:s30] =	ssyncset.done $0x0  }
0x2e: {  	s8 =	simm.s32 $0x280;
	[sflag:s30] =	ssyncadd.s32 $0xFFFFC000  }
0x2f: {  	[tilespmem:s19], [sflag:$0x1] =	stream.indirect.gather [hbm4b:s2+s18], $0x80, s8, s18, $0xb8;
	[tilespmem:$0x1A400] =	vst v63  }
0x30: {  	_ =	swait.ge [sflag:s1], $0x4000  }
0x31: {  	[sflag:s1] =	ssyncset.done $0x0  }
0x32: {  	s9 =	rddreg [dreg:$0x6];
	[sflag:s1] =	ssyncadd.s32 $0xFFFFC000  }
0x33: {  	[hbm4b:s9+s3] =	stream.linear.scatter [tilespmem:s22], [sflag:$0x8], $0x4000, $0x38;
	[tilespmem:$0x1A400] =	vst v63  }
0x34: {  	_ =	swait.ge [sflag:s0], $0x4000  }
0x35: {  	[sflag:s0] =	ssyncset.done $0x0  }
0x36: {  	s10 =	simm.s32 $0x300;
	[sflag:s0] =	ssyncadd.s32 $0xFFFFC000  }
0x37: {  	[tilespmem:s20], [sflag:$0x2] =	stream.indirect.gather [hbm4b:s2+s18], $0x80, s10, s18, $0xb8;
	[tilespmem:$0x1A400] =	vst v63  }
0x38: {  	_ =	swait.ge [sflag:s23], $0x4000  }
0x39: {  	[sflag:s23] =	ssyncset.done $0x0  }
0x3a: {  	s8 =	rddreg [dreg:$0x7];
	[sflag:s23] =	ssyncadd.s32 $0xFFFFC000  }
0x3b: {  	[hbm4b:s8+s3] =	stream.linear.scatter [tilespmem:s24], [sflag:$0x9], $0x4000, $0x38;
	[tilespmem:$0x1A400] =	vst v63  }
0x3c: {  	_ =	swait.ge [sflag:s26], $0x4000  }
0x3d: {  	[sflag:s26] =	ssyncset.done $0x0  }
0x3e: {  	s9 =	simm.s32 $0x380;
	[sflag:s26] =	ssyncadd.s32 $0xFFFFC000  }
0x3f: {  	[tilespmem:s22], [sflag:$0x3] =	stream.indirect.gather [hbm4b:s2+s18], $0x80, s9, s18, $0xb8;
	[tilespmem:$0x1A400] =	vst v63  }
0x40: {  	_ =	swait.ge [sflag:s21], $0x4000  }
0x41: {  	[sflag:s21] =	ssyncset.done $0x0  }
0x42: {  	s10 =	rddreg [dreg:$0x8];
	[sflag:s21] =	ssyncadd.s32 $0xFFFFC000  }
0x43: {  	[hbm4b:s10+s3] =	stream.linear.scatter [tilespmem:s28], [sflag:$0xA], $0x4000, $0x38;
	[tilespmem:$0x1A400] =	vst v63  }
0x44: {  	_ =	swait.ge [sflag:s31], $0x4000  }
0x45: {  	[sflag:s31] =	ssyncset.done $0x0  }
0x46: {  	s8 =	simm.s32 $0x400;
	[sflag:s31] =	ssyncadd.s32 $0xFFFFC000  }
0x47: {  	[tilespmem:s24], [sflag:$0x4] =	stream.indirect.gather [hbm4b:s2+s18], $0x80, s8, s18, $0xb8;
	[tilespmem:$0x1A400] =	vst v63  }
0x48: {  	_ =	swait.ge [sflag:s25], $0x4000  }
0x49: {  	[sflag:s25] =	ssyncset.done $0x0  }
0x4a: {  	s9 =	sadd.s32 $0xFFFFE000, s16;
	[sflag:s25] =	ssyncadd.s32 $0xFFFFC000  }
0x4b: {  	[hbm4b:s9+s3] =	stream.linear.scatter [tilespmem:s19], [sflag:$0x6], $0x4000, $0x38;
	[tilespmem:$0x1A400] =	vst v63  }
0x4c: {  	_ =	swait.ge [sflag:s5], $0x4000  }
0x4d: {  	[sflag:s5] =	ssyncset.done $0x0  }
0x4e: {  	s10 =	simm.s32 $0x480;
	[sflag:s5] =	ssyncadd.s32 $0xFFFFC000  }
0x4f: {  	[tilespmem:s28], [sflag:$0x5] =	stream.indirect.gather [hbm4b:s2+s18], $0x80, s10, s18, $0xb8;
	[tilespmem:$0x1A400] =	vst v63  }
0x50: {  	_ =	swait.ge [sflag:s29], $0x4000  }
0x51: {  	[sflag:s29] =	ssyncset.done $0x0  }
0x52: {  	s8 =	sadd.s32 $0xFFFFE800, s16;
	[sflag:s29] =	ssyncadd.s32 $0xFFFFC000  }
0x53: {  	[hbm4b:s8+s3] =	stream.linear.scatter [tilespmem:s20], [sflag:$0x7], $0x4000, $0x38;
	[tilespmem:$0x1A400] =	vst v63  }
0x54: {  	_ =	swait.ge [sflag:s30], $0x4000  }
0x55: {  	[sflag:s30] =	ssyncset.done $0x0  }
0x56: {  	s9 =	simm.s32 $0x500;
	[sflag:s30] =	ssyncadd.s32 $0xFFFFC000  }
0x57: {  	[tilespmem:s19], [sflag:$0x1] =	stream.indirect.gather [hbm4b:s2+s18], $0x80, s9, s18, $0xb8;
	[tilespmem:$0x1A400] =	vst v63  }
0x58: {  	_ =	swait.ge [sflag:s1], $0x4000  }
0x59: {  	[sflag:s1] =	ssyncset.done $0x0  }
0x5a: {  	s10 =	sadd.s32 $0xFFFFF000, s16;
	[sflag:s1] =	ssyncadd.s32 $0xFFFFC000  }
0x5b: {  	[hbm4b:s10+s3] =	stream.linear.scatter [tilespmem:s22], [sflag:$0x8], $0x4000, $0x38;
	[tilespmem:$0x1A400] =	vst v63  }
0x5c: {  	_ =	swait.ge [sflag:s0], $0x4000  }
0x5d: {  	[sflag:s0] =	ssyncset.done $0x0  }
0x5e: {  	s8 =	simm.s32 $0x580;
	[sflag:s0] =	ssyncadd.s32 $0xFFFFC000  }
0x5f: {  	[tilespmem:s20], [sflag:$0x2] =	stream.indirect.gather [hbm4b:s2+s18], $0x80, s8, s18, $0xb8;
	[tilespmem:$0x1A400] =	vst v63  }
0x60: {  	_ =	swait.ge [sflag:s23], $0x4000  }
0x61: {  	[sflag:s23] =	ssyncset.done $0x0  }
0x62: {  	s9 =	sadd.s32 $0xFFFFF800, s16;
	[sflag:s23] =	ssyncadd.s32 $0xFFFFC000  }
0x63: {  	[hbm4b:s9+s3] =	stream.linear.scatter [tilespmem:s24], [sflag:$0x9], $0x4000, $0x38;
	[tilespmem:$0x1A400] =	vst v63  }
0x64: {  	_ =	swait.ge [sflag:s26], $0x4000  }
0x65: {  	[sflag:s26] =	ssyncset.done $0x0  }
0x66: {  	s10 =	simm.s32 $0x600;
	[sflag:s26] =	ssyncadd.s32 $0xFFFFC000  }
0x67: {  	[tilespmem:s22], [sflag:$0x3] =	stream.indirect.gather [hbm4b:s2+s18], $0x80, s10, s18, $0xb8;
	[tilespmem:$0x1A400] =	vst v63  }
0x68: {  	_ =	swait.ge [sflag:s21], $0x4000  }
0x69: {  	[sflag:s21] =	ssyncset.done $0x0  }
0x6a: {  	[sflag:s21] =	ssyncadd.s32 $0xFFFFC000  }
0x6b: {  	[hbm4b:s16+s3] =	stream.linear.scatter [tilespmem:s28], [sflag:$0xA], $0x4000, $0x38;
	[tilespmem:$0x1A400] =	vst v63  }
0x6c: {  	_ =	swait.ge [sflag:s31], $0x4000  }
0x6d: {  	s7 =	simm.s32 $0xA00;
	[sflag:s31] =	ssyncset.done $0x0  }
0x6e: {  	s8 =	sadd.s32 $0x2800, s16;
	s9 =	simm.s32 $0x680;
	[sflag:s31] =	ssyncadd.s32 $0xFFFFC000  }
.LBB2_2:
0x6f: {  	[tilespmem:s24], [sflag:$0x4] =	stream.indirect.gather [hbm4b:s2+s18], $0x80, s9, s18, $0xb8;
	[tilespmem:$0x1A400] =	vst v63  }
0x70: {  	s9 =	smov.u32 s7  }
0x71: {  	p0 =	sne.s32 s7, $0x17200;
	s7 =	sadd.s32 $0xA00, s7;
	_ =	swait.ge [sflag:s25], $0x4000  }
0x72: {  	[sflag:s25] =	ssyncset.done $0x0  }
0x73: {  	s10 =	sadd.s32 $0xFFFFE000, s8;
	[sflag:s25] =	ssyncadd.s32 $0xFFFFC000  }
0x74: {  	[hbm4b:s10+s3] =	stream.linear.scatter [tilespmem:s19], [sflag:$0x6], $0x4000, $0x38;
	[tilespmem:$0x1A400] =	vst v63  }
0x75: {  	_ =	swait.ge [sflag:s5], $0x4000  }
0x76: {  	s9 =	sshra.s32 s9, $0x2;
	[sflag:s5] =	ssyncset.done $0x0  }
0x77: {  	s10 =	sadd.s32 $0x480, s9;
	[sflag:s5] =	ssyncadd.s32 $0xFFFFC000  }
0x78: {  	[tilespmem:s28], [sflag:$0x5] =	stream.indirect.gather [hbm4b:s2+s18], $0x80, s10, s18, $0xb8;
	[tilespmem:$0x1A400] =	vst v63  }
0x79: {  	_ =	swait.ge [sflag:s29], $0x4000  }
0x7a: {  	[sflag:s29] =	ssyncset.done $0x0  }
0x7b: {  	s10 =	sadd.s32 $0xFFFFE800, s8;
	[sflag:s29] =	ssyncadd.s32 $0xFFFFC000  }
0x7c: {  	[hbm4b:s10+s3] =	stream.linear.scatter [tilespmem:s20], [sflag:$0x7], $0x4000, $0x38;
	[tilespmem:$0x1A400] =	vst v63  }
0x7d: {  	_ =	swait.ge [sflag:s30], $0x4000  }
0x7e: {  	[sflag:s30] =	ssyncset.done $0x0  }
0x7f: {  	s10 =	sadd.s32 $0x500, s9;
	[sflag:s30] =	ssyncadd.s32 $0xFFFFC000  }
0x80: {  	[tilespmem:s19], [sflag:$0x1] =	stream.indirect.gather [hbm4b:s2+s18], $0x80, s10, s18, $0xb8;
	[tilespmem:$0x1A400] =	vst v63  }
0x81: {  	_ =	swait.ge [sflag:s1], $0x4000  }
0x82: {  	[sflag:s1] =	ssyncset.done $0x0  }
0x83: {  	s10 =	sadd.s32 $0xFFFFF000, s8;
	[sflag:s1] =	ssyncadd.s32 $0xFFFFC000  }
0x84: {  	[hbm4b:s10+s3] =	stream.linear.scatter [tilespmem:s22], [sflag:$0x8], $0x4000, $0x38;
	[tilespmem:$0x1A400] =	vst v63  }
0x85: {  	_ =	swait.ge [sflag:s0], $0x4000  }
0x86: {  	[sflag:s0] =	ssyncset.done $0x0  }
0x87: {  	s10 =	sadd.s32 $0x580, s9;
	[sflag:s0] =	ssyncadd.s32 $0xFFFFC000  }
0x88: {  	[tilespmem:s20], [sflag:$0x2] =	stream.indirect.gather [hbm4b:s2+s18], $0x80, s10, s18, $0xb8;
	[tilespmem:$0x1A400] =	vst v63  }
0x89: {  	_ =	swait.ge [sflag:s23], $0x4000  }
0x8a: {  	[sflag:s23] =	ssyncset.done $0x0  }
0x8b: {  	s10 =	sadd.s32 $0xFFFFF800, s8;
	[sflag:s23] =	ssyncadd.s32 $0xFFFFC000  }
0x8c: {  	[hbm4b:s10+s3] =	stream.linear.scatter [tilespmem:s24], [sflag:$0x9], $0x4000, $0x38;
	[tilespmem:$0x1A400] =	vst v63  }
0x8d: {  	_ =	swait.ge [sflag:s26], $0x4000  }
0x8e: {  	[sflag:s26] =	ssyncset.done $0x0  }
0x8f: {  	s10 =	sadd.s32 $0x600, s9;
	[sflag:s26] =	ssyncadd.s32 $0xFFFFC000  }
0x90: {  	[tilespmem:s22], [sflag:$0x3] =	stream.indirect.gather [hbm4b:s2+s18], $0x80, s10, s18, $0xb8;
	[tilespmem:$0x1A400] =	vst v63  }
0x91: {  	_ =	swait.ge [sflag:s21], $0x4000  }
0x92: {  	[sflag:s21] =	ssyncset.done $0x0  }
.Ltmp0:
0x93: {  	[sflag:s21] =	ssyncadd.s32 $0xFFFFC000;
	(pc) =	sbr.rel @p0 .LBB2_2-.Ltmp0, $4  }
0x94: {  	[hbm4b:s8+s3] =	stream.linear.scatter [tilespmem:s28], [sflag:$0xA], $0x4000, $0x38;
	[tilespmem:$0x1A400] =	vst v63  }
0x95: {  	_ =	swait.ge [sflag:s31], $0x4000  }
0x96: {  	[sflag:s31] =	ssyncset.done $0x0  }
0x97: {  	s9 =	sadd.s32 $0x680, s9;
	s8 =	sadd.s32 $0x2800, s8;
	[sflag:s31] =	ssyncadd.s32 $0xFFFFC000  }
0x98: {  	[tilespmem:s24], [sflag:$0x4] =	stream.indirect.gather [hbm4b:s2+s18], $0x80, s9, s18, $0xb8;
	[tilespmem:$0x1A400] =	vst v63  }
0x99: {  	_ =	swait.ge [sflag:s25], $0x4000  }
0x9a: {  	[sflag:s25] =	ssyncset.done $0x0  }
0x9b: {  	s7 =	rddreg [dreg:$0x9];
	[sflag:s25] =	ssyncadd.s32 $0xFFFFC000  }
0x9c: {  	[hbm4b:s7+s3] =	stream.linear.scatter [tilespmem:s19], [sflag:$0x6], $0x4000, $0x38;
	[tilespmem:$0x1A400] =	vst v63  }
0x9d: {  	_ =	swait.ge [sflag:s5], $0x4000  }
0x9e: {  	[sflag:s5] =	ssyncset.done $0x0  }
0x9f: {  	s10 =	simm.s32 $0x6380;
	[sflag:s5] =	ssyncadd.s32 $0xFFFFC000  }
0xa0: {  	[tilespmem:s28], [sflag:$0x5] =	stream.indirect.gather [hbm4b:s2+s18], $0x80, s10, s18, $0xb8;
	[tilespmem:$0x1A400] =	vst v63  }
0xa1: {  	_ =	swait.ge [sflag:s29], $0x4000  }
0xa2: {  	[sflag:s29] =	ssyncset.done $0x0  }
0xa3: {  	[sflag:s29] =	ssyncadd.s32 $0xFFFFC000  }
0xa4: {  	[hbm4b:s11+s3] =	stream.linear.scatter [tilespmem:s20], [sflag:$0x7], $0x4000, $0x38;
	[tilespmem:$0x1A400] =	vst v63  }
0xa5: {  	_ =	swait.ge [sflag:s30], $0x4000  }
0xa6: {  	[sflag:s30] =	ssyncset.done $0x0  }
0xa7: {  	[sflag:s30] =	ssyncadd.s32 $0xFFFFC000  }
0xa8: {  	_ =	swait.ge [sflag:s1], $0x4000  }
0xa9: {  	[sflag:s1] =	ssyncset.done $0x0  }
0xaa: {  	[sflag:s1] =	ssyncadd.s32 $0xFFFFC000  }
0xab: {  	[hbm4b:s12+s3] =	stream.linear.scatter [tilespmem:s22], [sflag:$0x8], $0x4000, $0x38;
	[tilespmem:$0x1A400] =	vst v63  }
0xac: {  	_ =	swait.ge [sflag:s0], $0x4000  }
0xad: {  	[sflag:s0] =	ssyncset.done $0x0  }
0xae: {  	[sflag:s0] =	ssyncadd.s32 $0xFFFFC000  }
0xaf: {  	_ =	swait.ge [sflag:s23], $0x4000  }
0xb0: {  	[sflag:s23] =	ssyncset.done $0x0  }
0xb1: {  	[sflag:s23] =	ssyncadd.s32 $0xFFFFC000  }
0xb2: {  	[hbm4b:s13+s3] =	stream.linear.scatter [tilespmem:s24], [sflag:$0x9], $0x4000, $0x38;
	[tilespmem:$0x1A400] =	vst v63  }
0xb3: {  	_ =	swait.ge [sflag:s26], $0x4000  }
0xb4: {  	[sflag:s26] =	ssyncset.done $0x0  }
0xb5: {  	[sflag:s26] =	ssyncadd.s32 $0xFFFFC000  }
0xb6: {  	_ =	swait.ge [sflag:s21], $0x4000  }
0xb7: {  	[sflag:s21] =	ssyncset.done $0x0  }
0xb8: {  	s6 =	sadd.s32 $0x1, s6;
	[sflag:s21] =	ssyncadd.s32 $0xFFFFC000  }
0xb9: {  	[hbm4b:s14+s3] =	stream.linear.scatter [tilespmem:s28], [sflag:$0xA], $0x4000, $0x38;
	[tilespmem:$0x1A400] =	vst v63  }
0xba: {  	p0 =	sne.s32 s6, s15;
	_ =	swait.ge [sflag:s31], $0x4000  }
.Ltmp1:
0xbb: {  	[sflag:s31] =	ssyncset.done $0x0;
	(pc) =	sbr.rel @p0 .LBB2_1-.Ltmp1, $4  }
0xbc: {  	[sflag:s31] =	ssyncadd.s32 $0xFFFFC000  }
0xbd: {  	_ =	swait.ge [sflag:s5], $0x4000  }
0xbe: {  	[sflag:s5] =	ssyncset.done $0x0  }
0xbf: {  	[sflag:s5] =	ssyncadd.s32 $0xFFFFC000  }
0xc0: {  	_ =	sfence.sel $0x180000  }
0xc1: {  	[bflag:$0x0] =	sbarrier.arrive $0xFFFF  }
0xc2: {  	_ =	strace $0x90000047  }
0xc3: {  	s0 =	stileid.u32;
	[bflag:$0x2] =	sbarrier.arrive $0xFFFF  }
0xc4: {  	p0 =	sne.s32 s0, $0x0;
	s0 =	rddreg [dreg:$0x3]  }
0xc5: {  	s0 =	sadd.s32 @!p0 $0x100000, s0  }
0xc6: {  	[sflag:s0] =	ssyncadd.tile.s32 @!p0 $0x1;
	_ =	shalt  }
.Lfunc_end2:
_tile_overlayer_lowered:
.L_overlay_start_2:
0xc7: {  	(tag) =	ssettag $0x2  }
0xc8: {  	s0 =	rddreg [dreg:$0x0];
	s2 =	stileid.u32  }
0xc9: {  	s1 =	rddreg [dreg:$0x1];
	p0 =	sne.s32 s2, $0x0  }
0xca: {  	s3 =	rddreg [dreg:$0x2];
	[bflag:$0x3] =	sbarrier.arrive $0xFFFF;
	s2 =	simm.s32 @!p0 $0x1C0B  }
0xcb: {  	[timem:s3], [sflag:s2] =	dma.local @!p0 [hbm:s0], s1  }
0xcc: {  	s0 =	simm.s32 @!p0 $0xB  }
0xcd: {  	_ =	swait.ge @!p0 [sflag:s0], s1  }
0xce: {  	s1 =	ssub.s32 @!p0 $0x0, s1;
	[sflag:s0] =	ssyncset.done @!p0 $0x0  }
0xcf: {  	[sflag:s0] =	ssyncadd.s32 @!p0 s1  }
0xd0: {  	[bflag:$0x3] =	sbarrier.arrive $0xFFFF  }
0xd1: {  	_ =	shalt  }

</sc_bundles>
